<compile_context>
chip_gen: v7x
topology: tpu7x:2x2x1
jax: 0.10.2.dev20260603
libtpu: 0.0.44.dev20260713+nightly
codegen_flags: <defaults>
</compile_context>

<pallas_src>
import functools

import jax
import jax.numpy as jnp
from jax import lax
from jax.experimental import pallas as pl
from jax.experimental.pallas import tpu as pltpu
from jax.experimental.pallas import tpu_sc as plsc

_N = 10000
_E = 320000
_IN = 128
_HID = 256
_OUT = 128

_NP = 10240
_GRP = 128
_NW = 32
_G = 80
_EPW = _GRP * _G
_EPAD = _EPW * _NW
_RPT = _NP // 16
_NBUF = 2
_GC0 = 80
_GC1 = 80

_mesh = plsc.VectorSubcoreMesh(core_axis_name="c", subcore_axis_name="s")
_sc_params = pltpu.CompilerParams(needs_layout_passes=False)



@functools.partial(
    pl.kernel,
    out_type=[
        jax.ShapeDtypeStruct((_NW, _NP), jnp.float32),
        jax.ShapeDtypeStruct((_NW, _NP), jnp.float32),
    ],
    mesh=_mesh,
    compiler_params=_sc_params,
    scratch_types=[
        pltpu.VMEM((_EPW,), jnp.int32),
        pltpu.VMEM((_EPW,), jnp.int32),
        pltpu.VMEM((_NP,), jnp.float32),
        pltpu.VMEM((_NP,), jnp.float32),
    ],
)
def _sc_degrees(src_hbm, dst_hbm, outs_hbm, outd_hbm, sidx_v, didx_v, cs_v, cd_v):
    c = lax.axis_index("c")
    s = lax.axis_index("s")
    w = s * 2 + c
    zero16 = jnp.zeros((16,), jnp.float32)
    ones16 = jnp.ones((16,), jnp.float32)

    def zb(i, carry):
        cs_v[pl.ds(i * 16, 16)] = zero16
        cd_v[pl.ds(i * 16, 16)] = zero16
        return carry

    lax.fori_loop(0, _NP // 16, zb, 0)

    pltpu.sync_copy(src_hbm.at[pl.ds(w * _EPW, _EPW)], sidx_v)
    pltpu.sync_copy(dst_hbm.at[pl.ds(w * _EPW, _EPW)], didx_v)

    def cnt(i, carry):
        plsc.addupdate_scatter(cs_v, [sidx_v[pl.ds(i * 16, 16)]], ones16)
        plsc.addupdate_scatter(cd_v, [didx_v[pl.ds(i * 16, 16)]], ones16)
        return carry

    lax.fori_loop(0, _EPW // 16, cnt, 0)

    pltpu.sync_copy(cs_v, outs_hbm.at[w])
    pltpu.sync_copy(cd_v, outd_hbm.at[w])



@functools.partial(
    pl.kernel,
    out_type=jax.ShapeDtypeStruct((2, _NP, 128), jnp.float32),
    mesh=_mesh,
    compiler_params=_sc_params,
    scratch_types=[
        pltpu.VMEM((2, _GRP), jnp.int32),
        pltpu.VMEM((2, _GRP), jnp.int32),
        pltpu.VMEM((_GRP, 128), jnp.float32),
        pltpu.VMEM((_GRP, 128), jnp.float32),
        pltpu.VMEM_SHARED((_NP, 128), jnp.float32),
        pltpu.SemaphoreType.DMA,
        pltpu.SemaphoreType.DMA,
    ],
)
def _sc_aggregate(xs_hbm, idx2_hbm, out_hbm, i0, i1, r0, r1, acc_sh, gs0, gs1):
    c = lax.axis_index("c")
    s = lax.axis_index("s")
    ibufs = (i0, i1)
    bufs = (r0, r1)
    gsems = (gs0, gs1)
    zero16 = jnp.zeros((16,), jnp.float32)
    base = (s * 2 + c) * _G

    def zr(i, carry):
        r = i // 8
        j = i - r * 8
        r0[r, pl.ds(j * 16, 16)] = zero16
        return carry

    lax.fori_loop(0, _GRP * 8, zr, 0)
    for k in range(_RPT // _GRP):
        pltpu.sync_copy(r0, acc_sh.at[pl.ds(s * _RPT + k * _GRP, _GRP)])

    for b in range(_NBUF):
        pltpu.sync_copy(idx2_hbm.at[base + b], ibufs[b])
        pltpu.async_copy(xs_hbm.at[ibufs[b].at[0]], bufs[b], gsems[b])
    plsc.subcore_barrier()

    def round_body(r, carry):
        for b in range(_NBUF):
            g = r * _NBUF + b
            pltpu.make_async_copy(xs_hbm.at[ibufs[b].at[0]], bufs[b],
                                  gsems[b]).wait()
            pltpu.sync_copy(bufs[b], acc_sh.at[ibufs[b].at[1]], add=True)

            @pl.when(r < _G // _NBUF - 1)
            def _():
                pltpu.sync_copy(idx2_hbm.at[base + g + _NBUF], ibufs[b])
                pltpu.async_copy(xs_hbm.at[ibufs[b].at[0]], bufs[b], gsems[b])

        return carry

    lax.fori_loop(0, _G // _NBUF, round_body, 0)
    plsc.subcore_barrier()
    pltpu.sync_copy(acc_sh.at[pl.ds(s * _RPT, _RPT)],
                    out_hbm.at[c, pl.ds(s * _RPT, _RPT)])



_RB = 2048


def _scale_body(x_ref, d_ref, o_ref):
    o_ref[...] = x_ref[...] * d_ref[...]


def _layer_body(p_ref, din_ref, dout_ref, w1_ref, b1_ref, w2_ref, o_ref):
    t = (p_ref[0] + p_ref[1]) * din_ref[...]
    u = jnp.dot(t, w1_ref[...], preferred_element_type=jnp.float32) + b1_ref[0:1, :]
    h = jnp.maximum(u, 0.0)
    o_ref[...] = jnp.dot(h, w2_ref[...], preferred_element_type=jnp.float32) * dout_ref[...]


def _final_body(p_ref, din_ref, b2_ref, o_ref):
    o_ref[...] = (p_ref[0] + p_ref[1]) * din_ref[...] + b2_ref[0:1, :]


def _tc_scale(x, d):
    return pl.pallas_call(
        _scale_body,
        grid=(_NP // _RB,),
        in_specs=[
            pl.BlockSpec((_RB, 128), lambda i: (i, 0)),
            pl.BlockSpec((_RB, 128), lambda i: (i, 0)),
        ],
        out_specs=pl.BlockSpec((_RB, 128), lambda i: (i, 0)),
        out_shape=jax.ShapeDtypeStruct((_NP, 128), jnp.float32),
    )(x, d)


def _tc_layer(parts, din, dout, W1, b1b, W2):
    return pl.pallas_call(
        _layer_body,
        grid=(_NP // _RB,),
        in_specs=[
            pl.BlockSpec((2, _RB, 128), lambda i: (0, i, 0)),
            pl.BlockSpec((_RB, 128), lambda i: (i, 0)),
            pl.BlockSpec((_RB, 128), lambda i: (i, 0)),
            pl.BlockSpec((_IN, _HID), lambda i: (0, 0)),
            pl.BlockSpec((8, _HID), lambda i: (0, 0)),
            pl.BlockSpec((_HID, _OUT), lambda i: (0, 0)),
        ],
        out_specs=pl.BlockSpec((_RB, 128), lambda i: (i, 0)),
        out_shape=jax.ShapeDtypeStruct((_NP, 128), jnp.float32),
    )(parts, din, dout, W1, b1b, W2)


def _tc_final(parts, din, b2b):
    return pl.pallas_call(
        _final_body,
        grid=(_NP // _RB,),
        in_specs=[
            pl.BlockSpec((2, _RB, 128), lambda i: (0, i, 0)),
            pl.BlockSpec((_RB, 128), lambda i: (i, 0)),
            pl.BlockSpec((8, 128), lambda i: (0, 0)),
        ],
        out_specs=pl.BlockSpec((_RB, 128), lambda i: (i, 0)),
        out_shape=jax.ShapeDtypeStruct((_NP, 128), jnp.float32),
    )(parts, din, b2b)



def kernel(features, edge_index, W1, b1, W2, b2):
    src = edge_index[0]
    dst = edge_index[1]
    pad = _EPAD - _E
    pad_idx = _N + (jnp.arange(pad, dtype=jnp.int32) % (_NP - _N))
    src_p = jnp.concatenate([src, pad_idx])
    dst_p = jnp.concatenate([dst, pad_idx])
    idx2 = jnp.stack([src_p.reshape(_EPAD // _GRP, _GRP),
                      dst_p.reshape(_EPAD // _GRP, _GRP)], axis=1)
    feat_p = jnp.pad(features, ((0, _NP - _N), (0, 0)))

    degs, degd = _sc_degrees(src_p, dst_p)
    deg_out = jnp.sum(degs, axis=0)
    deg_in = jnp.sum(degd, axis=0)
    d_out = lax.rsqrt(jnp.clip(deg_out, 1.0))
    d_in = lax.rsqrt(jnp.clip(deg_in, 1.0))
    d_out_b = jnp.broadcast_to(d_out[:, None], (_NP, 128))
    d_in_b = jnp.broadcast_to(d_in[:, None], (_NP, 128))
    b1b = jnp.broadcast_to(b1[None, :], (8, _HID))
    b2b = jnp.broadcast_to(b2[None, :], (8, _OUT))

    xs = _tc_scale(feat_p, d_out_b)
    parts1 = _sc_aggregate(xs, idx2)
    z = _tc_layer(parts1, d_in_b, d_out_b, W1, b1b, W2)
    parts2 = _sc_aggregate(z, idx2)
    out_full = _tc_final(parts2, d_in_b, b2b)
    return out_full[:_N]

# --- scband reference (transcript-rebuilt; emitter-appended) ---
"""Pipeline reference for scband-gcn-32272384262903 (READ-ONLY COPY).

The authoritative reference and input builder live on the scoring server;
editing this copy changes nothing except your own understanding.
"""

import jax, jax.numpy as jnp
import numpy as np

N = 10000
E = 320000
IN = 128
HID = 256
OUT = 128


def setup_inputs(seed: int = 0) -> dict:
    key = jax.random.key(seed)
    k1, k2, k3, k4, k5, k6 = jax.random.split(key, 6)
    features = jax.random.normal(k1, (N, IN), dtype=jnp.float32)
    edge_index = jax.random.randint(k2, (2, E), 0, N, dtype=jnp.int32)
    # GraphConv weights (glorot-uniform style init) and zero biases
    lim1 = float(np.sqrt(6.0 / (IN + HID)))
    lim2 = float(np.sqrt(6.0 / (HID + OUT)))
    W1 = jax.random.uniform(k3, (IN, HID), dtype=jnp.float32, minval=-lim1, maxval=lim1)
    b1 = jnp.zeros((HID,), dtype=jnp.float32)
    W2 = jax.random.uniform(k4, (HID, OUT), dtype=jnp.float32, minval=-lim2, maxval=lim2)
    b2 = jnp.zeros((OUT,), dtype=jnp.float32)
    return {"features": features, "edge_index": edge_index, "W1": W1, "b1": b1, "W2": W2, "b2": b2}


def _graph_conv(h, src, dst, d_out_is, d_in_is, W, b):
    # DGL GraphConv, norm='both': D_in^{-1/2} A D_out^{-1/2} H W + b
    h = h * d_out_is[:, None]
    m = jnp.take(h, src, axis=0)
    agg = jax.ops.segment_sum(m, dst, num_segments=N)
    agg = agg * d_in_is[:, None]
    return agg @ W + b


def reference(features, edge_index, W1, b1, W2, b2):
    src = edge_index[0]
    dst = edge_index[1]
    deg_out = jnp.clip(jnp.bincount(src, length=N).astype(features.dtype), 1.0)
    deg_in = jnp.clip(jnp.bincount(dst, length=N).astype(features.dtype), 1.0)
    d_out_is = deg_out ** -0.5
    d_in_is = deg_in ** -0.5
    # layer 1 + relu activation
    h = _graph_conv(features, src, dst, d_out_is, d_in_is, W1, b1)
    h = jax.nn.relu(h)
    # dropout(0.5) is identity in eval mode
    out = _graph_conv(h, src, dst, d_out_is, d_in_is, W2, b2)
    return out

if __name__ == "__main__":
    import jax
    _d = setup_inputs()
    print(jax.jit(kernel)(*tuple(_d.values())))

</pallas_src>

<mosaic_0001>
#map = affine_map<(d0, d1) -> (0)>
#map1 = affine_map<(d0, d1) -> (0, 0)>
module attributes {stable_mosaic.version = 14 : i64} {
  func.func @_sc_degrees(%arg0: i32, %arg1: i32, %arg2: memref<327680xi32, #tpu.memory_space<hbm>>, %arg3: memref<327680xi32, #tpu.memory_space<hbm>>, %arg4: memref<32x10240xf32, #tpu.memory_space<hbm>>, %arg5: memref<32x10240xf32, #tpu.memory_space<hbm>>, %arg6: memref<10240xi32, #tpu.memory_space<vmem>>, %arg7: memref<10240xi32, #tpu.memory_space<vmem>>, %arg8: memref<10240xf32, #tpu.memory_space<vmem>>, %arg9: memref<10240xf32, #tpu.memory_space<vmem>>) attributes {dimension_semantics = [#tpu.dimension_semantics<core_parallel>, #tpu.dimension_semantics<subcore_parallel>], iteration_bounds = array<i64: 2, 16>, scalar_prefetch = 0 : i64, scratch_operands = 4 : i64, tpu.core_type = #tpu.core_type<sc_vector_subcore>, window_params = [{transform_indices = #map}, {transform_indices = #map}, {transform_indices = #map1}, {transform_indices = #map1}]} {
    %mul3A = arith.constant 2 : i32
    %mul3A_0 = arith.muli %arg1, %mul3A : i32
    %add3A = arith.addi %mul3A_0, %arg0 : i32
    %broadcast_in_dim3A = arith.constant 0.000000e+00 : f32
    %broadcast_in_dim3A_1 = vector.broadcast %broadcast_in_dim3A : f32 to vector<16xf32>
    %broadcast_in_dim3A_2 = arith.constant 1.000000e+00 : f32
    %broadcast_in_dim3A_3 = vector.broadcast %broadcast_in_dim3A_2 : f32 to vector<16xf32>
    %scan3A = arith.constant 0 : i32
    %scan3A_4 = arith.constant 0 : i32
    %scan3A_5 = arith.constant 640 : i32
    %scan3A_6 = arith.addi %scan3A_4, %scan3A_5 : i32
    %scan3A_7 = arith.constant 1 : i32
    scf.for %scan3A_19 = %scan3A_4 to %scan3A_6 step %scan3A_7  : i32 {
      %mul3A_20 = arith.constant 16 : i32
      %mul3A_21 = arith.muli %scan3A_19, %mul3A_20 : i32
      %swap3A = arith.index_cast %mul3A_21 : i32 to index
      %swap3A_22 = tpu.vector_load %arg8[%swap3A] {strides = array<i32>} : memref<10240xf32, #tpu.memory_space<vmem>>, vector<16xf32>,
      tpu.vector_store %arg8[%swap3A], %broadcast_in_dim3A_1 {strides = array<i32>} : memref<10240xf32, #tpu.memory_space<vmem>>, vector<16xf32>,
      %mul3A_23 = arith.constant 16 : i32
      %mul3A_24 = arith.muli %scan3A_19, %mul3A_23 : i32
      %swap3A_25 = arith.index_cast %mul3A_24 : i32 to index
      %swap3A_26 = tpu.vector_load %arg9[%swap3A_25] {strides = array<i32>} : memref<10240xf32, #tpu.memory_space<vmem>>, vector<16xf32>,
      tpu.vector_store %arg9[%swap3A_25], %broadcast_in_dim3A_1 {strides = array<i32>} : memref<10240xf32, #tpu.memory_space<vmem>>, vector<16xf32>,
    }
    %scan3A_8 = arith.constant 640 : i32
    %mul3A_9 = arith.constant 10240 : i32
    %mul3A_10 = arith.muli %add3A, %mul3A_9 : i32
    "tpu.region"() ({
      %run_scoped3A = tpu.sem_alloc : memref<!tpu.dma_semaphore, #tpu.memory_space<semaphore_mem>>
      %dma_start3A = tpu.memref_slice %arg2[%mul3A_10] : memref<327680xi32, #tpu.memory_space<hbm>> -> memref<10240xi32, #tpu.memory_space<hbm>>
      %dma_start3A_19 = tpu.memref_slice %arg2[%mul3A_10] : memref<327680xi32, #tpu.memory_space<hbm>> -> memref<10240xi32, #tpu.memory_space<hbm>>
      tpu.enqueue_dma source(%dma_start3A_19 : memref<10240xi32, #tpu.memory_space<hbm>>) target(%arg6 : memref<10240xi32, #tpu.memory_space<vmem>>) target_semaphore(%run_scoped3A : memref<!tpu.dma_semaphore, #tpu.memory_space<semaphore_mem>>)
      %dma_wait3A = tpu.memref_slice %arg2[%mul3A_10] : memref<327680xi32, #tpu.memory_space<hbm>> -> memref<10240xi32, #tpu.memory_space<hbm>>
      %dma_wait3A_20 = tpu.memref_slice %arg2[%mul3A_10] : memref<327680xi32, #tpu.memory_space<hbm>> -> memref<10240xi32, #tpu.memory_space<hbm>>
      tpu.wait_dma2 semaphore(%run_scoped3A : memref<!tpu.dma_semaphore, #tpu.memory_space<semaphore_mem>>) src(%dma_wait3A_20 : memref<10240xi32, #tpu.memory_space<hbm>>) dst(%arg6 : memref<10240xi32, #tpu.memory_space<vmem>>)
      tpu.yield
    }) : () -> ()
    %mul3A_11 = arith.constant 10240 : i32
    %mul3A_12 = arith.muli %add3A, %mul3A_11 : i32
    "tpu.region"() ({
      %run_scoped3A = tpu.sem_alloc : memref<!tpu.dma_semaphore, #tpu.memory_space<semaphore_mem>>
      %dma_start3A = tpu.memref_slice %arg3[%mul3A_12] : memref<327680xi32, #tpu.memory_space<hbm>> -> memref<10240xi32, #tpu.memory_space<hbm>>
      %dma_start3A_19 = tpu.memref_slice %arg3[%mul3A_12] : memref<327680xi32, #tpu.memory_space<hbm>> -> memref<10240xi32, #tpu.memory_space<hbm>>
      tpu.enqueue_dma source(%dma_start3A_19 : memref<10240xi32, #tpu.memory_space<hbm>>) target(%arg7 : memref<10240xi32, #tpu.memory_space<vmem>>) target_semaphore(%run_scoped3A : memref<!tpu.dma_semaphore, #tpu.memory_space<semaphore_mem>>)
      %dma_wait3A = tpu.memref_slice %arg3[%mul3A_12] : memref<327680xi32, #tpu.memory_space<hbm>> -> memref<10240xi32, #tpu.memory_space<hbm>>
      %dma_wait3A_20 = tpu.memref_slice %arg3[%mul3A_12] : memref<327680xi32, #tpu.memory_space<hbm>> -> memref<10240xi32, #tpu.memory_space<hbm>>
      tpu.wait_dma2 semaphore(%run_scoped3A : memref<!tpu.dma_semaphore, #tpu.memory_space<semaphore_mem>>) src(%dma_wait3A_20 : memref<10240xi32, #tpu.memory_space<hbm>>) dst(%arg7 : memref<10240xi32, #tpu.memory_space<vmem>>)
      tpu.yield
    }) : () -> ()
    %scan3A_13 = arith.constant 0 : i32
    %scan3A_14 = arith.constant 0 : i32
    %scan3A_15 = arith.constant 640 : i32
    %scan3A_16 = arith.addi %scan3A_14, %scan3A_15 : i32
    %scan3A_17 = arith.constant 1 : i32
    scf.for %scan3A_19 = %scan3A_14 to %scan3A_16 step %scan3A_17  : i32 {
      %mul3A_20 = arith.constant 16 : i32
      %mul3A_21 = arith.muli %scan3A_19, %mul3A_20 : i32
      %get3A = arith.index_cast %mul3A_21 : i32 to index
      %get3A_22 = tpu.vector_load %arg6[%get3A] {strides = array<i32>} : memref<10240xi32, #tpu.memory_space<vmem>>, vector<16xi32>,
      tpu.vector_store_idx %arg8[%get3A_22], %broadcast_in_dim3A_3 {add = true} : memref<10240xf32, #tpu.memory_space<vmem>>[vector<16xi32>], vector<16xf32>,
      %mul3A_23 = arith.constant 16 : i32
      %mul3A_24 = arith.muli %scan3A_19, %mul3A_23 : i32
      %get3A_25 = arith.index_cast %mul3A_24 : i32 to index
      %get3A_26 = tpu.vector_load %arg7[%get3A_25] {strides = array<i32>} : memref<10240xi32, #tpu.memory_space<vmem>>, vector<16xi32>,
      tpu.vector_store_idx %arg9[%get3A_26], %broadcast_in_dim3A_3 {add = true} : memref<10240xf32, #tpu.memory_space<vmem>>[vector<16xi32>], vector<16xf32>,
    }
    %scan3A_18 = arith.constant 640 : i32
    "tpu.region"() ({
      %run_scoped3A = tpu.sem_alloc : memref<!tpu.dma_semaphore, #tpu.memory_space<semaphore_mem>>
      %dma_start3A = arith.constant 0 : i32
      %dma_start3A_19 = tpu.memref_slice %arg4[%add3A, %dma_start3A] : memref<32x10240xf32, #tpu.memory_space<hbm>> -> memref<1x10240xf32, #tpu.memory_space<hbm>>
      %dma_start3A_20 = tpu.memref_squeeze %dma_start3A_19 : memref<1x10240xf32, #tpu.memory_space<hbm>> -> memref<10240xf32, #tpu.memory_space<hbm>>
      %dma_start3A_21 = arith.constant 0 : i32
      %dma_start3A_22 = tpu.memref_slice %arg4[%add3A, %dma_start3A_21] : memref<32x10240xf32, #tpu.memory_space<hbm>> -> memref<1x10240xf32, #tpu.memory_space<hbm>>
      %dma_start3A_23 = tpu.memref_squeeze %dma_start3A_22 : memref<1x10240xf32, #tpu.memory_space<hbm>> -> memref<10240xf32, #tpu.memory_space<hbm>>
      tpu.enqueue_dma source(%arg8 : memref<10240xf32, #tpu.memory_space<vmem>>) target(%dma_start3A_23 : memref<10240xf32, #tpu.memory_space<hbm>>) target_semaphore(%run_scoped3A : memref<!tpu.dma_semaphore, #tpu.memory_space<semaphore_mem>>)
      %dma_wait3A = arith.constant 0 : i32
      %dma_wait3A_24 = tpu.memref_slice %arg4[%add3A, %dma_wait3A] : memref<32x10240xf32, #tpu.memory_space<hbm>> -> memref<1x10240xf32, #tpu.memory_space<hbm>>
      %dma_wait3A_25 = tpu.memref_squeeze %dma_wait3A_24 : memref<1x10240xf32, #tpu.memory_space<hbm>> -> memref<10240xf32, #tpu.memory_space<hbm>>
      %dma_wait3A_26 = arith.constant 0 : i32
      %dma_wait3A_27 = tpu.memref_slice %arg4[%add3A, %dma_wait3A_26] : memref<32x10240xf32, #tpu.memory_space<hbm>> -> memref<1x10240xf32, #tpu.memory_space<hbm>>
      %dma_wait3A_28 = tpu.memref_squeeze %dma_wait3A_27 : memref<1x10240xf32, #tpu.memory_space<hbm>> -> memref<10240xf32, #tpu.memory_space<hbm>>
      tpu.wait_dma2 semaphore(%run_scoped3A : memref<!tpu.dma_semaphore, #tpu.memory_space<semaphore_mem>>) src(%arg8 : memref<10240xf32, #tpu.memory_space<vmem>>) dst(%dma_wait3A_28 : memref<10240xf32, #tpu.memory_space<hbm>>)
      tpu.yield
    }) : () -> ()
    "tpu.region"() ({
      %run_scoped3A = tpu.sem_alloc : memref<!tpu.dma_semaphore, #tpu.memory_space<semaphore_mem>>
      %dma_start3A = arith.constant 0 : i32
      %dma_start3A_19 = tpu.memref_slice %arg5[%add3A, %dma_start3A] : memref<32x10240xf32, #tpu.memory_space<hbm>> -> memref<1x10240xf32, #tpu.memory_space<hbm>>
      %dma_start3A_20 = tpu.memref_squeeze %dma_start3A_19 : memref<1x10240xf32, #tpu.memory_space<hbm>> -> memref<10240xf32, #tpu.memory_space<hbm>>
      %dma_start3A_21 = arith.constant 0 : i32
      %dma_start3A_22 = tpu.memref_slice %arg5[%add3A, %dma_start3A_21] : memref<32x10240xf32, #tpu.memory_space<hbm>> -> memref<1x10240xf32, #tpu.memory_space<hbm>>
      %dma_start3A_23 = tpu.memref_squeeze %dma_start3A_22 : memref<1x10240xf32, #tpu.memory_space<hbm>> -> memref<10240xf32, #tpu.memory_space<hbm>>
      tpu.enqueue_dma source(%arg9 : memref<10240xf32, #tpu.memory_space<vmem>>) target(%dma_start3A_23 : memref<10240xf32, #tpu.memory_space<hbm>>) target_semaphore(%run_scoped3A : memref<!tpu.dma_semaphore, #tpu.memory_space<semaphore_mem>>)
      %dma_wait3A = arith.constant 0 : i32
      %dma_wait3A_24 = tpu.memref_slice %arg5[%add3A, %dma_wait3A] : memref<32x10240xf32, #tpu.memory_space<hbm>> -> memref<1x10240xf32, #tpu.memory_space<hbm>>
      %dma_wait3A_25 = tpu.memref_squeeze %dma_wait3A_24 : memref<1x10240xf32, #tpu.memory_space<hbm>> -> memref<10240xf32, #tpu.memory_space<hbm>>
      %dma_wait3A_26 = arith.constant 0 : i32
      %dma_wait3A_27 = tpu.memref_slice %arg5[%add3A, %dma_wait3A_26] : memref<32x10240xf32, #tpu.memory_space<hbm>> -> memref<1x10240xf32, #tpu.memory_space<hbm>>
      %dma_wait3A_28 = tpu.memref_squeeze %dma_wait3A_27 : memref<1x10240xf32, #tpu.memory_space<hbm>> -> memref<10240xf32, #tpu.memory_space<hbm>>
      tpu.wait_dma2 semaphore(%run_scoped3A : memref<!tpu.dma_semaphore, #tpu.memory_space<semaphore_mem>>) src(%arg9 : memref<10240xf32, #tpu.memory_space<vmem>>) dst(%dma_wait3A_28 : memref<10240xf32, #tpu.memory_space<hbm>>)
      tpu.yield
    }) : () -> ()
    return
  }
}

#map = affine_map<(d0, d1) -> (0, 0)>
#map1 = affine_map<(d0, d1) -> (0, 0, 0)>
module attributes {stable_mosaic.version = 14 : i64} {
  func.func @_sc_aggregate(%arg0: i32, %arg1: i32, %arg2: memref<10240x128xf32, #tpu.memory_space<hbm>>, %arg3: memref<2560x2x128xi32, #tpu.memory_space<hbm>>, %arg4: memref<2x10240x128xf32, #tpu.memory_space<hbm>>, %arg5: memref<2x128xi32, #tpu.memory_space<vmem>>, %arg6: memref<2x128xi32, #tpu.memory_space<vmem>>, %arg7: memref<128x128xf32, #tpu.memory_space<vmem>>, %arg8: memref<128x128xf32, #tpu.memory_space<vmem>>, %arg9: memref<10240x128xf32, #tpu.memory_space<vmem_shared>>, %arg10: memref<!tpu.dma_semaphore, #tpu.memory_space<semaphore_mem>>, %arg11: memref<!tpu.dma_semaphore, #tpu.memory_space<semaphore_mem>>) attributes {dimension_semantics = [#tpu.dimension_semantics<core_parallel>, #tpu.dimension_semantics<subcore_parallel>], iteration_bounds = array<i64: 2, 16>, scalar_prefetch = 0 : i64, scratch_operands = 7 : i64, tpu.core_type = #tpu.core_type<sc_vector_subcore>, window_params = [{transform_indices = #map}, {transform_indices = #map1}, {transform_indices = #map1}]} {
    %broadcast_in_dim3A = arith.constant 0.000000e+00 : f32
    %broadcast_in_dim3A_0 = vector.broadcast %broadcast_in_dim3A : f32 to vector<16xf32>
    %mul3A = arith.constant 2 : i32
    %mul3A_1 = arith.muli %arg1, %mul3A : i32
    %add3A = arith.addi %mul3A_1, %arg0 : i32
    %mul3A_2 = arith.constant 80 : i32
    %mul3A_3 = arith.muli %add3A, %mul3A_2 : i32
    %scan3A = arith.constant 0 : i32
    %scan3A_4 = arith.constant 0 : i32
    %scan3A_5 = arith.constant 1024 : i32
    %scan3A_6 = arith.addi %scan3A_4, %scan3A_5 : i32
    %scan3A_7 = arith.constant 1 : i32
    scf.for %scan3A_57 = %scan3A_4 to %scan3A_6 step %scan3A_7  : i32 {
      %jit3A = arith.constant 8 : i32
      %div3A = arith.divsi %scan3A_57, %jit3A : i32
      %sign3A = arith.constant 0 : i32
      %sign3A_58 = arith.cmpi sgt, %scan3A_57, %sign3A : i32
      %sign3A_59 = arith.extui %sign3A_58 : i1 to i32
      %sign3A_60 = arith.constant 0 : i32
      %sign3A_61 = arith.cmpi slt, %scan3A_57, %sign3A_60 : i32
      %sign3A_62 = arith.extui %sign3A_61 : i1 to i32
      %sign3A_63 = arith.subi %sign3A_59, %sign3A_62 : i32
      %sign3A_64 = arith.constant 0 : i32
      %sign3A_65 = arith.cmpi sgt, %jit3A, %sign3A_64 : i32
      %sign3A_66 = arith.extui %sign3A_65 : i1 to i32
      %sign3A_67 = arith.constant 0 : i32
      %sign3A_68 = arith.cmpi slt, %jit3A, %sign3A_67 : i32
      %sign3A_69 = arith.extui %sign3A_68 : i1 to i32
      %sign3A_70 = arith.subi %sign3A_66, %sign3A_69 : i32
      %ne3A = arith.cmpi ne, %sign3A_63, %sign3A_70 : i32
      %rem3A = arith.remsi %scan3A_57, %jit3A : i32
      %ne3A_71 = arith.constant 0 : i32
      %ne3A_72 = arith.cmpi ne, %rem3A, %ne3A_71 : i32
      %and3A = arith.andi %ne3A, %ne3A_72 : i1
      %sub3A = arith.constant 1 : i32
      %sub3A_73 = arith.subi %div3A, %sub3A : i32
      %select_n3A = arith.select %and3A, %sub3A_73, %div3A : i32
      %mul3A_74 = arith.constant 8 : i32
      %mul3A_75 = arith.muli %select_n3A, %mul3A_74 : i32
      %sub3A_76 = arith.subi %scan3A_57, %mul3A_75 : i32
      %mul3A_77 = arith.constant 16 : i32
      %mul3A_78 = arith.muli %sub3A_76, %mul3A_77 : i32
      %swap3A = arith.index_cast %select_n3A : i32 to index
      %swap3A_79 = arith.index_cast %mul3A_78 : i32 to index
      %swap3A_80 = tpu.vector_load %arg7[%swap3A, %swap3A_79] {strides = array<i32>} : memref<128x128xf32, #tpu.memory_space<vmem>>, vector<16xf32>,
      tpu.vector_store %arg7[%swap3A, %swap3A_79], %broadcast_in_dim3A_0 {strides = array<i32>} : memref<128x128xf32, #tpu.memory_space<vmem>>, vector<16xf32>,
    }
    %scan3A_8 = arith.constant 1024 : i32
    %mul3A_9 = arith.constant 640 : i32
    %mul3A_10 = arith.muli %arg1, %mul3A_9 : i32
    %add3A_11 = arith.constant 0 : i32
    %add3A_12 = arith.addi %mul3A_10, %add3A_11 : i32
    "tpu.region"() ({
      %run_scoped3A = tpu.sem_alloc : memref<!tpu.dma_semaphore, #tpu.memory_space<semaphore_mem>>
      %dma_start3A_57 = arith.constant 0 : i32
      %dma_start3A_58 = tpu.memref_slice %arg9[%add3A_12, %dma_start3A_57] : memref<10240x128xf32, #tpu.memory_space<vmem_shared>> -> memref<128x128xf32, #tpu.memory_space<vmem_shared>>
      %dma_start3A_59 = arith.constant 0 : i32
      %dma_start3A_60 = tpu.memref_slice %arg9[%add3A_12, %dma_start3A_59] : memref<10240x128xf32, #tpu.memory_space<vmem_shared>> -> memref<128x128xf32, #tpu.memory_space<vmem_shared>>
      tpu.enqueue_dma source(%arg7 : memref<128x128xf32, #tpu.memory_space<vmem>>) target(%dma_start3A_60 : memref<128x128xf32, #tpu.memory_space<vmem_shared>>) target_semaphore(%run_scoped3A : memref<!tpu.dma_semaphore, #tpu.memory_space<semaphore_mem>>)
      %dma_wait3A = arith.constant 0 : i32
      %dma_wait3A_61 = tpu.memref_slice %arg9[%add3A_12, %dma_wait3A] : memref<10240x128xf32, #tpu.memory_space<vmem_shared>> -> memref<128x128xf32, #tpu.memory_space<vmem_shared>>
      %dma_wait3A_62 = arith.constant 0 : i32
      %dma_wait3A_63 = tpu.memref_slice %arg9[%add3A_12, %dma_wait3A_62] : memref<10240x128xf32, #tpu.memory_space<vmem_shared>> -> memref<128x128xf32, #tpu.memory_space<vmem_shared>>
      tpu.wait_dma2 semaphore(%run_scoped3A : memref<!tpu.dma_semaphore, #tpu.memory_space<semaphore_mem>>) src(%arg7 : memref<128x128xf32, #tpu.memory_space<vmem>>) dst(%dma_wait3A_63 : memref<128x128xf32, #tpu.memory_space<vmem_shared>>)
      tpu.yield
    }) : () -> ()
    %mul3A_13 = arith.constant 640 : i32
    %mul3A_14 = arith.muli %arg1, %mul3A_13 : i32
    %add3A_15 = arith.constant 128 : i32
    %add3A_16 = arith.addi %mul3A_14, %add3A_15 : i32
    "tpu.region"() ({
      %run_scoped3A = tpu.sem_alloc : memref<!tpu.dma_semaphore, #tpu.memory_space<semaphore_mem>>
      %dma_start3A_57 = arith.constant 0 : i32
      %dma_start3A_58 = tpu.memref_slice %arg9[%add3A_16, %dma_start3A_57] : memref<10240x128xf32, #tpu.memory_space<vmem_shared>> -> memref<128x128xf32, #tpu.memory_space<vmem_shared>>
      %dma_start3A_59 = arith.constant 0 : i32
      %dma_start3A_60 = tpu.memref_slice %arg9[%add3A_16, %dma_start3A_59] : memref<10240x128xf32, #tpu.memory_space<vmem_shared>> -> memref<128x128xf32, #tpu.memory_space<vmem_shared>>
      tpu.enqueue_dma source(%arg7 : memref<128x128xf32, #tpu.memory_space<vmem>>) target(%dma_start3A_60 : memref<128x128xf32, #tpu.memory_space<vmem_shared>>) target_semaphore(%run_scoped3A : memref<!tpu.dma_semaphore, #tpu.memory_space<semaphore_mem>>)
      %dma_wait3A = arith.constant 0 : i32
      %dma_wait3A_61 = tpu.memref_slice %arg9[%add3A_16, %dma_wait3A] : memref<10240x128xf32, #tpu.memory_space<vmem_shared>> -> memref<128x128xf32, #tpu.memory_space<vmem_shared>>
      %dma_wait3A_62 = arith.constant 0 : i32
      %dma_wait3A_63 = tpu.memref_slice %arg9[%add3A_16, %dma_wait3A_62] : memref<10240x128xf32, #tpu.memory_space<vmem_shared>> -> memref<128x128xf32, #tpu.memory_space<vmem_shared>>
      tpu.wait_dma2 semaphore(%run_scoped3A : memref<!tpu.dma_semaphore, #tpu.memory_space<semaphore_mem>>) src(%arg7 : memref<128x128xf32, #tpu.memory_space<vmem>>) dst(%dma_wait3A_63 : memref<128x128xf32, #tpu.memory_space<vmem_shared>>)
      tpu.yield
    }) : () -> ()
    %mul3A_17 = arith.constant 640 : i32
    %mul3A_18 = arith.muli %arg1, %mul3A_17 : i32
    %add3A_19 = arith.constant 256 : i32
    %add3A_20 = arith.addi %mul3A_18, %add3A_19 : i32
    "tpu.region"() ({
      %run_scoped3A = tpu.sem_alloc : memref<!tpu.dma_semaphore, #tpu.memory_space<semaphore_mem>>
      %dma_start3A_57 = arith.constant 0 : i32
      %dma_start3A_58 = tpu.memref_slice %arg9[%add3A_20, %dma_start3A_57] : memref<10240x128xf32, #tpu.memory_space<vmem_shared>> -> memref<128x128xf32, #tpu.memory_space<vmem_shared>>
      %dma_start3A_59 = arith.constant 0 : i32
      %dma_start3A_60 = tpu.memref_slice %arg9[%add3A_20, %dma_start3A_59] : memref<10240x128xf32, #tpu.memory_space<vmem_shared>> -> memref<128x128xf32, #tpu.memory_space<vmem_shared>>
      tpu.enqueue_dma source(%arg7 : memref<128x128xf32, #tpu.memory_space<vmem>>) target(%dma_start3A_60 : memref<128x128xf32, #tpu.memory_space<vmem_shared>>) target_semaphore(%run_scoped3A : memref<!tpu.dma_semaphore, #tpu.memory_space<semaphore_mem>>)
      %dma_wait3A = arith.constant 0 : i32
      %dma_wait3A_61 = tpu.memref_slice %arg9[%add3A_20, %dma_wait3A] : memref<10240x128xf32, #tpu.memory_space<vmem_shared>> -> memref<128x128xf32, #tpu.memory_space<vmem_shared>>
      %dma_wait3A_62 = arith.constant 0 : i32
      %dma_wait3A_63 = tpu.memref_slice %arg9[%add3A_20, %dma_wait3A_62] : memref<10240x128xf32, #tpu.memory_space<vmem_shared>> -> memref<128x128xf32, #tpu.memory_space<vmem_shared>>
      tpu.wait_dma2 semaphore(%run_scoped3A : memref<!tpu.dma_semaphore, #tpu.memory_space<semaphore_mem>>) src(%arg7 : memref<128x128xf32, #tpu.memory_space<vmem>>) dst(%dma_wait3A_63 : memref<128x128xf32, #tpu.memory_space<vmem_shared>>)
      tpu.yield
    }) : () -> ()
    %mul3A_21 = arith.constant 640 : i32
    %mul3A_22 = arith.muli %arg1, %mul3A_21 : i32
    %add3A_23 = arith.constant 384 : i32
    %add3A_24 = arith.addi %mul3A_22, %add3A_23 : i32
    "tpu.region"() ({
      %run_scoped3A = tpu.sem_alloc : memref<!tpu.dma_semaphore, #tpu.memory_space<semaphore_mem>>
      %dma_start3A_57 = arith.constant 0 : i32
      %dma_start3A_58 = tpu.memref_slice %arg9[%add3A_24, %dma_start3A_57] : memref<10240x128xf32, #tpu.memory_space<vmem_shared>> -> memref<128x128xf32, #tpu.memory_space<vmem_shared>>
      %dma_start3A_59 = arith.constant 0 : i32
      %dma_start3A_60 = tpu.memref_slice %arg9[%add3A_24, %dma_start3A_59] : memref<10240x128xf32, #tpu.memory_space<vmem_shared>> -> memref<128x128xf32, #tpu.memory_space<vmem_shared>>
      tpu.enqueue_dma source(%arg7 : memref<128x128xf32, #tpu.memory_space<vmem>>) target(%dma_start3A_60 : memref<128x128xf32, #tpu.memory_space<vmem_shared>>) target_semaphore(%run_scoped3A : memref<!tpu.dma_semaphore, #tpu.memory_space<semaphore_mem>>)
      %dma_wait3A = arith.constant 0 : i32
      %dma_wait3A_61 = tpu.memref_slice %arg9[%add3A_24, %dma_wait3A] : memref<10240x128xf32, #tpu.memory_space<vmem_shared>> -> memref<128x128xf32, #tpu.memory_space<vmem_shared>>
      %dma_wait3A_62 = arith.constant 0 : i32
      %dma_wait3A_63 = tpu.memref_slice %arg9[%add3A_24, %dma_wait3A_62] : memref<10240x128xf32, #tpu.memory_space<vmem_shared>> -> memref<128x128xf32, #tpu.memory_space<vmem_shared>>
      tpu.wait_dma2 semaphore(%run_scoped3A : memref<!tpu.dma_semaphore, #tpu.memory_space<semaphore_mem>>) src(%arg7 : memref<128x128xf32, #tpu.memory_space<vmem>>) dst(%dma_wait3A_63 : memref<128x128xf32, #tpu.memory_space<vmem_shared>>)
      tpu.yield
    }) : () -> ()
    %mul3A_25 = arith.constant 640 : i32
    %mul3A_26 = arith.muli %arg1, %mul3A_25 : i32
    %add3A_27 = arith.constant 512 : i32
    %add3A_28 = arith.addi %mul3A_26, %add3A_27 : i32
    "tpu.region"() ({
      %run_scoped3A = tpu.sem_alloc : memref<!tpu.dma_semaphore, #tpu.memory_space<semaphore_mem>>
      %dma_start3A_57 = arith.constant 0 : i32
      %dma_start3A_58 = tpu.memref_slice %arg9[%add3A_28, %dma_start3A_57] : memref<10240x128xf32, #tpu.memory_space<vmem_shared>> -> memref<128x128xf32, #tpu.memory_space<vmem_shared>>
      %dma_start3A_59 = arith.constant 0 : i32
      %dma_start3A_60 = tpu.memref_slice %arg9[%add3A_28, %dma_start3A_59] : memref<10240x128xf32, #tpu.memory_space<vmem_shared>> -> memref<128x128xf32, #tpu.memory_space<vmem_shared>>
      tpu.enqueue_dma source(%arg7 : memref<128x128xf32, #tpu.memory_space<vmem>>) target(%dma_start3A_60 : memref<128x128xf32, #tpu.memory_space<vmem_shared>>) target_semaphore(%run_scoped3A : memref<!tpu.dma_semaphore, #tpu.memory_space<semaphore_mem>>)
      %dma_wait3A = arith.constant 0 : i32
      %dma_wait3A_61 = tpu.memref_slice %arg9[%add3A_28, %dma_wait3A] : memref<10240x128xf32, #tpu.memory_space<vmem_shared>> -> memref<128x128xf32, #tpu.memory_space<vmem_shared>>
      %dma_wait3A_62 = arith.constant 0 : i32
      %dma_wait3A_63 = tpu.memref_slice %arg9[%add3A_28, %dma_wait3A_62] : memref<10240x128xf32, #tpu.memory_space<vmem_shared>> -> memref<128x128xf32, #tpu.memory_space<vmem_shared>>
      tpu.wait_dma2 semaphore(%run_scoped3A : memref<!tpu.dma_semaphore, #tpu.memory_space<semaphore_mem>>) src(%arg7 : memref<128x128xf32, #tpu.memory_space<vmem>>) dst(%dma_wait3A_63 : memref<128x128xf32, #tpu.memory_space<vmem_shared>>)
      tpu.yield
    }) : () -> ()
    %add3A_29 = arith.constant 0 : i32
    %add3A_30 = arith.addi %mul3A_3, %add3A_29 : i32
    "tpu.region"() ({
      %run_scoped3A = tpu.sem_alloc : memref<!tpu.dma_semaphore, #tpu.memory_space<semaphore_mem>>
      %dma_start3A_57 = arith.constant 0 : i32
      %dma_start3A_58 = arith.constant 0 : i32
      %dma_start3A_59 = tpu.memref_slice %arg3[%add3A_30, %dma_start3A_57, %dma_start3A_58] : memref<2560x2x128xi32, #tpu.memory_space<hbm>> -> memref<1x2x128xi32, #tpu.memory_space<hbm>>
      %dma_start3A_60 = tpu.memref_squeeze %dma_start3A_59 : memref<1x2x128xi32, #tpu.memory_space<hbm>> -> memref<2x128xi32, #tpu.memory_space<hbm>>
      %dma_start3A_61 = arith.constant 0 : i32
      %dma_start3A_62 = arith.constant 0 : i32
      %dma_start3A_63 = tpu.memref_slice %arg3[%add3A_30, %dma_start3A_61, %dma_start3A_62] : memref<2560x2x128xi32, #tpu.memory_space<hbm>> -> memref<1x2x128xi32, #tpu.memory_space<hbm>>
      %dma_start3A_64 = tpu.memref_squeeze %dma_start3A_63 : memref<1x2x128xi32, #tpu.memory_space<hbm>> -> memref<2x128xi32, #tpu.memory_space<hbm>>
      tpu.enqueue_dma source(%dma_start3A_64 : memref<2x128xi32, #tpu.memory_space<hbm>>) target(%arg5 : memref<2x128xi32, #tpu.memory_space<vmem>>) target_semaphore(%run_scoped3A : memref<!tpu.dma_semaphore, #tpu.memory_space<semaphore_mem>>)
      %dma_wait3A = arith.constant 0 : i32
      %dma_wait3A_65 = arith.constant 0 : i32
      %dma_wait3A_66 = tpu.memref_slice %arg3[%add3A_30, %dma_wait3A, %dma_wait3A_65] : memref<2560x2x128xi32, #tpu.memory_space<hbm>> -> memref<1x2x128xi32, #tpu.memory_space<hbm>>
      %dma_wait3A_67 = tpu.memref_squeeze %dma_wait3A_66 : memref<1x2x128xi32, #tpu.memory_space<hbm>> -> memref<2x128xi32, #tpu.memory_space<hbm>>
      %dma_wait3A_68 = arith.constant 0 : i32
      %dma_wait3A_69 = arith.constant 0 : i32
      %dma_wait3A_70 = tpu.memref_slice %arg3[%add3A_30, %dma_wait3A_68, %dma_wait3A_69] : memref<2560x2x128xi32, #tpu.memory_space<hbm>> -> memref<1x2x128xi32, #tpu.memory_space<hbm>>
      %dma_wait3A_71 = tpu.memref_squeeze %dma_wait3A_70 : memref<1x2x128xi32, #tpu.memory_space<hbm>> -> memref<2x128xi32, #tpu.memory_space<hbm>>
      tpu.wait_dma2 semaphore(%run_scoped3A : memref<!tpu.dma_semaphore, #tpu.memory_space<semaphore_mem>>) src(%dma_wait3A_71 : memref<2x128xi32, #tpu.memory_space<hbm>>) dst(%arg5 : memref<2x128xi32, #tpu.memory_space<vmem>>)
      tpu.yield
    }) : () -> ()
    %dma_start3A = arith.constant 0 : i32
    %dma_start3A_31 = arith.constant 0 : i32
    %dma_start3A_32 = tpu.memref_slice %arg5[%dma_start3A, %dma_start3A_31] : memref<2x128xi32, #tpu.memory_space<vmem>> -> memref<1x128xi32, #tpu.memory_space<vmem>>
    %dma_start3A_33 = tpu.memref_squeeze %dma_start3A_32 : memref<1x128xi32, #tpu.memory_space<vmem>> -> memref<128xi32, #tpu.memory_space<vmem>>
    %dma_start3A_34 = arith.constant 0 : i32
    %dma_start3A_35 = arith.constant 0 : i32
    %dma_start3A_36 = tpu.memref_slice %arg2[%dma_start3A_34, %dma_start3A_35] : memref<10240x128xf32, #tpu.memory_space<hbm>> -> memref<10240x128xf32, #tpu.memory_space<hbm>>
    tpu.enqueue_indirect_dma source(%dma_start3A_36 : memref<10240x128xf32, #tpu.memory_space<hbm>>) target(%arg7 : memref<128x128xf32, #tpu.memory_space<vmem>>) offsets(%dma_start3A_33 : memref<128xi32, #tpu.memory_space<vmem>>) semaphore(%arg10 : memref<!tpu.dma_semaphore, #tpu.memory_space<semaphore_mem>>)
    %add3A_37 = arith.constant 1 : i32
    %add3A_38 = arith.addi %mul3A_3, %add3A_37 : i32
    "tpu.region"() ({
      %run_scoped3A = tpu.sem_alloc : memref<!tpu.dma_semaphore, #tpu.memory_space<semaphore_mem>>
      %dma_start3A_57 = arith.constant 0 : i32
      %dma_start3A_58 = arith.constant 0 : i32
      %dma_start3A_59 = tpu.memref_slice %arg3[%add3A_38, %dma_start3A_57, %dma_start3A_58] : memref<2560x2x128xi32, #tpu.memory_space<hbm>> -> memref<1x2x128xi32, #tpu.memory_space<hbm>>
      %dma_start3A_60 = tpu.memref_squeeze %dma_start3A_59 : memref<1x2x128xi32, #tpu.memory_space<hbm>> -> memref<2x128xi32, #tpu.memory_space<hbm>>
      %dma_start3A_61 = arith.constant 0 : i32
      %dma_start3A_62 = arith.constant 0 : i32
      %dma_start3A_63 = tpu.memref_slice %arg3[%add3A_38, %dma_start3A_61, %dma_start3A_62] : memref<2560x2x128xi32, #tpu.memory_space<hbm>> -> memref<1x2x128xi32, #tpu.memory_space<hbm>>
      %dma_start3A_64 = tpu.memref_squeeze %dma_start3A_63 : memref<1x2x128xi32, #tpu.memory_space<hbm>> -> memref<2x128xi32, #tpu.memory_space<hbm>>
      tpu.enqueue_dma source(%dma_start3A_64 : memref<2x128xi32, #tpu.memory_space<hbm>>) target(%arg6 : memref<2x128xi32, #tpu.memory_space<vmem>>) target_semaphore(%run_scoped3A : memref<!tpu.dma_semaphore, #tpu.memory_space<semaphore_mem>>)
      %dma_wait3A = arith.constant 0 : i32
      %dma_wait3A_65 = arith.constant 0 : i32
      %dma_wait3A_66 = tpu.memref_slice %arg3[%add3A_38, %dma_wait3A, %dma_wait3A_65] : memref<2560x2x128xi32, #tpu.memory_space<hbm>> -> memref<1x2x128xi32, #tpu.memory_space<hbm>>
      %dma_wait3A_67 = tpu.memref_squeeze %dma_wait3A_66 : memref<1x2x128xi32, #tpu.memory_space<hbm>> -> memref<2x128xi32, #tpu.memory_space<hbm>>
      %dma_wait3A_68 = arith.constant 0 : i32
      %dma_wait3A_69 = arith.constant 0 : i32
      %dma_wait3A_70 = tpu.memref_slice %arg3[%add3A_38, %dma_wait3A_68, %dma_wait3A_69] : memref<2560x2x128xi32, #tpu.memory_space<hbm>> -> memref<1x2x128xi32, #tpu.memory_space<hbm>>
      %dma_wait3A_71 = tpu.memref_squeeze %dma_wait3A_70 : memref<1x2x128xi32, #tpu.memory_space<hbm>> -> memref<2x128xi32, #tpu.memory_space<hbm>>
      tpu.wait_dma2 semaphore(%run_scoped3A : memref<!tpu.dma_semaphore, #tpu.memory_space<semaphore_mem>>) src(%dma_wait3A_71 : memref<2x128xi32, #tpu.memory_space<hbm>>) dst(%arg6 : memref<2x128xi32, #tpu.memory_space<vmem>>)
      tpu.yield
    }) : () -> ()
    %dma_start3A_39 = arith.constant 0 : i32
    %dma_start3A_40 = arith.constant 0 : i32
    %dma_start3A_41 = tpu.memref_slice %arg6[%dma_start3A_39, %dma_start3A_40] : memref<2x128xi32, #tpu.memory_space<vmem>> -> memref<1x128xi32, #tpu.memory_space<vmem>>
    %dma_start3A_42 = tpu.memref_squeeze %dma_start3A_41 : memref<1x128xi32, #tpu.memory_space<vmem>> -> memref<128xi32, #tpu.memory_space<vmem>>
    %dma_start3A_43 = arith.constant 0 : i32
    %dma_start3A_44 = arith.constant 0 : i32
    %dma_start3A_45 = tpu.memref_slice %arg2[%dma_start3A_43, %dma_start3A_44] : memref<10240x128xf32, #tpu.memory_space<hbm>> -> memref<10240x128xf32, #tpu.memory_space<hbm>>
    tpu.enqueue_indirect_dma source(%dma_start3A_45 : memref<10240x128xf32, #tpu.memory_space<hbm>>) target(%arg8 : memref<128x128xf32, #tpu.memory_space<vmem>>) offsets(%dma_start3A_42 : memref<128xi32, #tpu.memory_space<vmem>>) semaphore(%arg11 : memref<!tpu.dma_semaphore, #tpu.memory_space<semaphore_mem>>)
    %barrier3A = arith.constant 0 : index
    tpu.barrier barrier_id(%barrier3A)
    %scan3A_46 = arith.constant 0 : i32
    %scan3A_47 = arith.constant 0 : i32
    %scan3A_48 = arith.constant 40 : i32
    %scan3A_49 = arith.addi %scan3A_47, %scan3A_48 : i32
    %scan3A_50 = arith.constant 1 : i32
    scf.for %scan3A_57 = %scan3A_47 to %scan3A_49 step %scan3A_50  : i32 {
      %mul3A_58 = arith.constant 2 : i32
      %mul3A_59 = arith.muli %scan3A_57, %mul3A_58 : i32
      %add3A_60 = arith.constant 0 : i32
      %add3A_61 = arith.addi %mul3A_59, %add3A_60 : i32
      %dma_wait3A = arith.constant 0 : i32
      %dma_wait3A_62 = arith.constant 0 : i32
      %dma_wait3A_63 = tpu.memref_slice %arg5[%dma_wait3A, %dma_wait3A_62] : memref<2x128xi32, #tpu.memory_space<vmem>> -> memref<1x128xi32, #tpu.memory_space<vmem>>
      %dma_wait3A_64 = tpu.memref_squeeze %dma_wait3A_63 : memref<1x128xi32, #tpu.memory_space<vmem>> -> memref<128xi32, #tpu.memory_space<vmem>>
      %dma_wait3A_65 = arith.constant 0 : i32
      %dma_wait3A_66 = arith.constant 0 : i32
      %dma_wait3A_67 = tpu.memref_slice %arg2[%dma_wait3A_65, %dma_wait3A_66] : memref<10240x128xf32, #tpu.memory_space<hbm>> -> memref<10240x128xf32, #tpu.memory_space<hbm>>
      tpu.wait_indirect_dma semaphore(%arg10 : memref<!tpu.dma_semaphore, #tpu.memory_space<semaphore_mem>>) src(%dma_wait3A_67 : memref<10240x128xf32, #tpu.memory_space<hbm>>) dst(%arg7 : memref<128x128xf32, #tpu.memory_space<vmem>>)
      %run_scoped3A = arith.constant 1 : i32
      "tpu.region"() ({
        %run_scoped3A_87 = tpu.sem_alloc : memref<!tpu.dma_semaphore, #tpu.memory_space<semaphore_mem>>
        %dma_start3A_88 = arith.constant 0 : i32
        %dma_start3A_89 = tpu.memref_slice %arg5[%run_scoped3A, %dma_start3A_88] : memref<2x128xi32, #tpu.memory_space<vmem>> -> memref<1x128xi32, #tpu.memory_space<vmem>>
        %dma_start3A_90 = tpu.memref_squeeze %dma_start3A_89 : memref<1x128xi32, #tpu.memory_space<vmem>> -> memref<128xi32, #tpu.memory_space<vmem>>
        %dma_start3A_91 = arith.constant 0 : i32
        %dma_start3A_92 = arith.constant 0 : i32
        %dma_start3A_93 = tpu.memref_slice %arg9[%dma_start3A_91, %dma_start3A_92] : memref<10240x128xf32, #tpu.memory_space<vmem_shared>> -> memref<10240x128xf32, #tpu.memory_space<vmem_shared>>
        tpu.enqueue_indirect_dma source(%arg7 : memref<128x128xf32, #tpu.memory_space<vmem>>) target(%dma_start3A_93 : memref<10240x128xf32, #tpu.memory_space<vmem_shared>>) offsets(%dma_start3A_90 : memref<128xi32, #tpu.memory_space<vmem>>) semaphore(%run_scoped3A_87 : memref<!tpu.dma_semaphore, #tpu.memory_space<semaphore_mem>>) {add = true}
        %dma_wait3A_94 = arith.constant 0 : i32
        %dma_wait3A_95 = tpu.memref_slice %arg5[%run_scoped3A, %dma_wait3A_94] : memref<2x128xi32, #tpu.memory_space<vmem>> -> memref<1x128xi32, #tpu.memory_space<vmem>>
        %dma_wait3A_96 = tpu.memref_squeeze %dma_wait3A_95 : memref<1x128xi32, #tpu.memory_space<vmem>> -> memref<128xi32, #tpu.memory_space<vmem>>
        %dma_wait3A_97 = arith.constant 0 : i32
        %dma_wait3A_98 = arith.constant 0 : i32
        %dma_wait3A_99 = tpu.memref_slice %arg9[%dma_wait3A_97, %dma_wait3A_98] : memref<10240x128xf32, #tpu.memory_space<vmem_shared>> -> memref<10240x128xf32, #tpu.memory_space<vmem_shared>>
        tpu.wait_indirect_dma semaphore(%run_scoped3A_87 : memref<!tpu.dma_semaphore, #tpu.memory_space<semaphore_mem>>) src(%arg7 : memref<128x128xf32, #tpu.memory_space<vmem>>) dst(%dma_wait3A_99 : memref<10240x128xf32, #tpu.memory_space<vmem_shared>>)
        tpu.yield
      }) : () -> ()
      %lt3A = arith.constant 39 : i32
      %lt3A_68 = arith.cmpi slt, %scan3A_57, %lt3A : i32
      %convert_element_type3A = arith.extui %lt3A_68 : i1 to i32
      %cond3A = arith.constant 0 : i32
      %cond3A_69 = arith.cmpi ne, %convert_element_type3A, %cond3A : i32
      scf.if %cond3A_69 {
        %add3A_87 = arith.addi %mul3A_3, %add3A_61 : i32
        %add3A_88 = arith.constant 2 : i32
        %add3A_89 = arith.addi %add3A_87, %add3A_88 : i32
        "tpu.region"() ({
          %run_scoped3A_97 = tpu.sem_alloc : memref<!tpu.dma_semaphore, #tpu.memory_space<semaphore_mem>>
          %dma_start3A_98 = arith.constant 0 : i32
          %dma_start3A_99 = arith.constant 0 : i32
          %dma_start3A_100 = tpu.memref_slice %arg3[%add3A_89, %dma_start3A_98, %dma_start3A_99] : memref<2560x2x128xi32, #tpu.memory_space<hbm>> -> memref<1x2x128xi32, #tpu.memory_space<hbm>>
          %dma_start3A_101 = tpu.memref_squeeze %dma_start3A_100 : memref<1x2x128xi32, #tpu.memory_space<hbm>> -> memref<2x128xi32, #tpu.memory_space<hbm>>
          %dma_start3A_102 = arith.constant 0 : i32
          %dma_start3A_103 = arith.constant 0 : i32
          %dma_start3A_104 = tpu.memref_slice %arg3[%add3A_89, %dma_start3A_102, %dma_start3A_103] : memref<2560x2x128xi32, #tpu.memory_space<hbm>> -> memref<1x2x128xi32, #tpu.memory_space<hbm>>
          %dma_start3A_105 = tpu.memref_squeeze %dma_start3A_104 : memref<1x2x128xi32, #tpu.memory_space<hbm>> -> memref<2x128xi32, #tpu.memory_space<hbm>>
          tpu.enqueue_dma source(%dma_start3A_105 : memref<2x128xi32, #tpu.memory_space<hbm>>) target(%arg5 : memref<2x128xi32, #tpu.memory_space<vmem>>) target_semaphore(%run_scoped3A_97 : memref<!tpu.dma_semaphore, #tpu.memory_space<semaphore_mem>>)
          %dma_wait3A_106 = arith.constant 0 : i32
          %dma_wait3A_107 = arith.constant 0 : i32
          %dma_wait3A_108 = tpu.memref_slice %arg3[%add3A_89, %dma_wait3A_106, %dma_wait3A_107] : memref<2560x2x128xi32, #tpu.memory_space<hbm>> -> memref<1x2x128xi32, #tpu.memory_space<hbm>>
          %dma_wait3A_109 = tpu.memref_squeeze %dma_wait3A_108 : memref<1x2x128xi32, #tpu.memory_space<hbm>> -> memref<2x128xi32, #tpu.memory_space<hbm>>
          %dma_wait3A_110 = arith.constant 0 : i32
          %dma_wait3A_111 = arith.constant 0 : i32
          %dma_wait3A_112 = tpu.memref_slice %arg3[%add3A_89, %dma_wait3A_110, %dma_wait3A_111] : memref<2560x2x128xi32, #tpu.memory_space<hbm>> -> memref<1x2x128xi32, #tpu.memory_space<hbm>>
          %dma_wait3A_113 = tpu.memref_squeeze %dma_wait3A_112 : memref<1x2x128xi32, #tpu.memory_space<hbm>> -> memref<2x128xi32, #tpu.memory_space<hbm>>
          tpu.wait_dma2 semaphore(%run_scoped3A_97 : memref<!tpu.dma_semaphore, #tpu.memory_space<semaphore_mem>>) src(%dma_wait3A_113 : memref<2x128xi32, #tpu.memory_space<hbm>>) dst(%arg5 : memref<2x128xi32, #tpu.memory_space<vmem>>)
          tpu.yield
        }) : () -> ()
        %dma_start3A_90 = arith.constant 0 : i32
        %dma_start3A_91 = arith.constant 0 : i32
        %dma_start3A_92 = tpu.memref_slice %arg5[%dma_start3A_90, %dma_start3A_91] : memref<2x128xi32, #tpu.memory_space<vmem>> -> memref<1x128xi32, #tpu.memory_space<vmem>>
        %dma_start3A_93 = tpu.memref_squeeze %dma_start3A_92 : memref<1x128xi32, #tpu.memory_space<vmem>> -> memref<128xi32, #tpu.memory_space<vmem>>
        %dma_start3A_94 = arith.constant 0 : i32
        %dma_start3A_95 = arith.constant 0 : i32
        %dma_start3A_96 = tpu.memref_slice %arg2[%dma_start3A_94, %dma_start3A_95] : memref<10240x128xf32, #tpu.memory_space<hbm>> -> memref<10240x128xf32, #tpu.memory_space<hbm>>
        tpu.enqueue_indirect_dma source(%dma_start3A_96 : memref<10240x128xf32, #tpu.memory_space<hbm>>) target(%arg7 : memref<128x128xf32, #tpu.memory_space<vmem>>) offsets(%dma_start3A_93 : memref<128xi32, #tpu.memory_space<vmem>>) semaphore(%arg10 : memref<!tpu.dma_semaphore, #tpu.memory_space<semaphore_mem>>)
      } else {
      }
      %mul3A_70 = arith.constant 2 : i32
      %mul3A_71 = arith.muli %scan3A_57, %mul3A_70 : i32
      %add3A_72 = arith.constant 1 : i32
      %add3A_73 = arith.addi %mul3A_71, %add3A_72 : i32
      %dma_wait3A_74 = arith.constant 0 : i32
      %dma_wait3A_75 = arith.constant 0 : i32
      %dma_wait3A_76 = tpu.memref_slice %arg6[%dma_wait3A_74, %dma_wait3A_75] : memref<2x128xi32, #tpu.memory_space<vmem>> -> memref<1x128xi32, #tpu.memory_space<vmem>>
      %dma_wait3A_77 = tpu.memref_squeeze %dma_wait3A_76 : memref<1x128xi32, #tpu.memory_space<vmem>> -> memref<128xi32, #tpu.memory_space<vmem>>
      %dma_wait3A_78 = arith.constant 0 : i32
      %dma_wait3A_79 = arith.constant 0 : i32
      %dma_wait3A_80 = tpu.memref_slice %arg2[%dma_wait3A_78, %dma_wait3A_79] : memref<10240x128xf32, #tpu.memory_space<hbm>> -> memref<10240x128xf32, #tpu.memory_space<hbm>>
      tpu.wait_indirect_dma semaphore(%arg11 : memref<!tpu.dma_semaphore, #tpu.memory_space<semaphore_mem>>) src(%dma_wait3A_80 : memref<10240x128xf32, #tpu.memory_space<hbm>>) dst(%arg8 : memref<128x128xf32, #tpu.memory_space<vmem>>)
      %run_scoped3A_81 = arith.constant 1 : i32
      "tpu.region"() ({
        %run_scoped3A_87 = tpu.sem_alloc : memref<!tpu.dma_semaphore, #tpu.memory_space<semaphore_mem>>
        %dma_start3A_88 = arith.constant 0 : i32
        %dma_start3A_89 = tpu.memref_slice %arg6[%run_scoped3A_81, %dma_start3A_88] : memref<2x128xi32, #tpu.memory_space<vmem>> -> memref<1x128xi32, #tpu.memory_space<vmem>>
        %dma_start3A_90 = tpu.memref_squeeze %dma_start3A_89 : memref<1x128xi32, #tpu.memory_space<vmem>> -> memref<128xi32, #tpu.memory_space<vmem>>
        %dma_start3A_91 = arith.constant 0 : i32
        %dma_start3A_92 = arith.constant 0 : i32
        %dma_start3A_93 = tpu.memref_slice %arg9[%dma_start3A_91, %dma_start3A_92] : memref<10240x128xf32, #tpu.memory_space<vmem_shared>> -> memref<10240x128xf32, #tpu.memory_space<vmem_shared>>
        tpu.enqueue_indirect_dma source(%arg8 : memref<128x128xf32, #tpu.memory_space<vmem>>) target(%dma_start3A_93 : memref<10240x128xf32, #tpu.memory_space<vmem_shared>>) offsets(%dma_start3A_90 : memref<128xi32, #tpu.memory_space<vmem>>) semaphore(%run_scoped3A_87 : memref<!tpu.dma_semaphore, #tpu.memory_space<semaphore_mem>>) {add = true}
        %dma_wait3A_94 = arith.constant 0 : i32
        %dma_wait3A_95 = tpu.memref_slice %arg6[%run_scoped3A_81, %dma_wait3A_94] : memref<2x128xi32, #tpu.memory_space<vmem>> -> memref<1x128xi32, #tpu.memory_space<vmem>>
        %dma_wait3A_96 = tpu.memref_squeeze %dma_wait3A_95 : memref<1x128xi32, #tpu.memory_space<vmem>> -> memref<128xi32, #tpu.memory_space<vmem>>
        %dma_wait3A_97 = arith.constant 0 : i32
        %dma_wait3A_98 = arith.constant 0 : i32
        %dma_wait3A_99 = tpu.memref_slice %arg9[%dma_wait3A_97, %dma_wait3A_98] : memref<10240x128xf32, #tpu.memory_space<vmem_shared>> -> memref<10240x128xf32, #tpu.memory_space<vmem_shared>>
        tpu.wait_indirect_dma semaphore(%run_scoped3A_87 : memref<!tpu.dma_semaphore, #tpu.memory_space<semaphore_mem>>) src(%arg8 : memref<128x128xf32, #tpu.memory_space<vmem>>) dst(%dma_wait3A_99 : memref<10240x128xf32, #tpu.memory_space<vmem_shared>>)
        tpu.yield
      }) : () -> ()
      %lt3A_82 = arith.constant 39 : i32
      %lt3A_83 = arith.cmpi slt, %scan3A_57, %lt3A_82 : i32
      %convert_element_type3A_84 = arith.extui %lt3A_83 : i1 to i32
      %cond3A_85 = arith.constant 0 : i32
      %cond3A_86 = arith.cmpi ne, %convert_element_type3A_84, %cond3A_85 : i32
      scf.if %cond3A_86 {
        %add3A_87 = arith.addi %mul3A_3, %add3A_73 : i32
        %add3A_88 = arith.constant 2 : i32
        %add3A_89 = arith.addi %add3A_87, %add3A_88 : i32
        "tpu.region"() ({
          %run_scoped3A_97 = tpu.sem_alloc : memref<!tpu.dma_semaphore, #tpu.memory_space<semaphore_mem>>
          %dma_start3A_98 = arith.constant 0 : i32
          %dma_start3A_99 = arith.constant 0 : i32
          %dma_start3A_100 = tpu.memref_slice %arg3[%add3A_89, %dma_start3A_98, %dma_start3A_99] : memref<2560x2x128xi32, #tpu.memory_space<hbm>> -> memref<1x2x128xi32, #tpu.memory_space<hbm>>
          %dma_start3A_101 = tpu.memref_squeeze %dma_start3A_100 : memref<1x2x128xi32, #tpu.memory_space<hbm>> -> memref<2x128xi32, #tpu.memory_space<hbm>>
          %dma_start3A_102 = arith.constant 0 : i32
          %dma_start3A_103 = arith.constant 0 : i32
          %dma_start3A_104 = tpu.memref_slice %arg3[%add3A_89, %dma_start3A_102, %dma_start3A_103] : memref<2560x2x128xi32, #tpu.memory_space<hbm>> -> memref<1x2x128xi32, #tpu.memory_space<hbm>>
          %dma_start3A_105 = tpu.memref_squeeze %dma_start3A_104 : memref<1x2x128xi32, #tpu.memory_space<hbm>> -> memref<2x128xi32, #tpu.memory_space<hbm>>
          tpu.enqueue_dma source(%dma_start3A_105 : memref<2x128xi32, #tpu.memory_space<hbm>>) target(%arg6 : memref<2x128xi32, #tpu.memory_space<vmem>>) target_semaphore(%run_scoped3A_97 : memref<!tpu.dma_semaphore, #tpu.memory_space<semaphore_mem>>)
          %dma_wait3A_106 = arith.constant 0 : i32
          %dma_wait3A_107 = arith.constant 0 : i32
          %dma_wait3A_108 = tpu.memref_slice %arg3[%add3A_89, %dma_wait3A_106, %dma_wait3A_107] : memref<2560x2x128xi32, #tpu.memory_space<hbm>> -> memref<1x2x128xi32, #tpu.memory_space<hbm>>
          %dma_wait3A_109 = tpu.memref_squeeze %dma_wait3A_108 : memref<1x2x128xi32, #tpu.memory_space<hbm>> -> memref<2x128xi32, #tpu.memory_space<hbm>>
          %dma_wait3A_110 = arith.constant 0 : i32
          %dma_wait3A_111 = arith.constant 0 : i32
          %dma_wait3A_112 = tpu.memref_slice %arg3[%add3A_89, %dma_wait3A_110, %dma_wait3A_111] : memref<2560x2x128xi32, #tpu.memory_space<hbm>> -> memref<1x2x128xi32, #tpu.memory_space<hbm>>
          %dma_wait3A_113 = tpu.memref_squeeze %dma_wait3A_112 : memref<1x2x128xi32, #tpu.memory_space<hbm>> -> memref<2x128xi32, #tpu.memory_space<hbm>>
          tpu.wait_dma2 semaphore(%run_scoped3A_97 : memref<!tpu.dma_semaphore, #tpu.memory_space<semaphore_mem>>) src(%dma_wait3A_113 : memref<2x128xi32, #tpu.memory_space<hbm>>) dst(%arg6 : memref<2x128xi32, #tpu.memory_space<vmem>>)
          tpu.yield
        }) : () -> ()
        %dma_start3A_90 = arith.constant 0 : i32
        %dma_start3A_91 = arith.constant 0 : i32
        %dma_start3A_92 = tpu.memref_slice %arg6[%dma_start3A_90, %dma_start3A_91] : memref<2x128xi32, #tpu.memory_space<vmem>> -> memref<1x128xi32, #tpu.memory_space<vmem>>
        %dma_start3A_93 = tpu.memref_squeeze %dma_start3A_92 : memref<1x128xi32, #tpu.memory_space<vmem>> -> memref<128xi32, #tpu.memory_space<vmem>>
        %dma_start3A_94 = arith.constant 0 : i32
        %dma_start3A_95 = arith.constant 0 : i32
        %dma_start3A_96 = tpu.memref_slice %arg2[%dma_start3A_94, %dma_start3A_95] : memref<10240x128xf32, #tpu.memory_space<hbm>> -> memref<10240x128xf32, #tpu.memory_space<hbm>>
        tpu.enqueue_indirect_dma source(%dma_start3A_96 : memref<10240x128xf32, #tpu.memory_space<hbm>>) target(%arg8 : memref<128x128xf32, #tpu.memory_space<vmem>>) offsets(%dma_start3A_93 : memref<128xi32, #tpu.memory_space<vmem>>) semaphore(%arg11 : memref<!tpu.dma_semaphore, #tpu.memory_space<semaphore_mem>>)
      } else {
      }
    }
    %scan3A_51 = arith.constant 40 : i32
    %barrier3A_52 = arith.constant 0 : index
    tpu.barrier barrier_id(%barrier3A_52)
    %mul3A_53 = arith.constant 640 : i32
    %mul3A_54 = arith.muli %arg1, %mul3A_53 : i32
    %mul3A_55 = arith.constant 640 : i32
    %mul3A_56 = arith.muli %arg1, %mul3A_55 : i32
    "tpu.region"() ({
      %run_scoped3A = tpu.sem_alloc : memref<!tpu.dma_semaphore, #tpu.memory_space<semaphore_mem>>
      %dma_start3A_57 = arith.constant 0 : i32
      %dma_start3A_58 = tpu.memref_slice %arg4[%arg0, %mul3A_56, %dma_start3A_57] : memref<2x10240x128xf32, #tpu.memory_space<hbm>> -> memref<1x640x128xf32, #tpu.memory_space<hbm>>
      %dma_start3A_59 = tpu.memref_squeeze %dma_start3A_58 : memref<1x640x128xf32, #tpu.memory_space<hbm>> -> memref<640x128xf32, #tpu.memory_space<hbm>>
      %dma_start3A_60 = arith.constant 0 : i32
      %dma_start3A_61 = tpu.memref_slice %arg9[%mul3A_54, %dma_start3A_60] : memref<10240x128xf32, #tpu.memory_space<vmem_shared>> -> memref<640x128xf32, #tpu.memory_space<vmem_shared>>
      tpu.enqueue_dma source(%dma_start3A_61 : memref<640x128xf32, #tpu.memory_space<vmem_shared>>) target(%dma_start3A_59 : memref<640x128xf32, #tpu.memory_space<hbm>>) target_semaphore(%run_scoped3A : memref<!tpu.dma_semaphore, #tpu.memory_space<semaphore_mem>>)
      %dma_wait3A = arith.constant 0 : i32
      %dma_wait3A_62 = tpu.memref_slice %arg4[%arg0, %mul3A_56, %dma_wait3A] : memref<2x10240x128xf32, #tpu.memory_space<hbm>> -> memref<1x640x128xf32, #tpu.memory_space<hbm>>
      %dma_wait3A_63 = tpu.memref_squeeze %dma_wait3A_62 : memref<1x640x128xf32, #tpu.memory_space<hbm>> -> memref<640x128xf32, #tpu.memory_space<hbm>>
      %dma_wait3A_64 = arith.constant 0 : i32
      %dma_wait3A_65 = tpu.memref_slice %arg9[%mul3A_54, %dma_wait3A_64] : memref<10240x128xf32, #tpu.memory_space<vmem_shared>> -> memref<640x128xf32, #tpu.memory_space<vmem_shared>>
      tpu.wait_dma2 semaphore(%run_scoped3A : memref<!tpu.dma_semaphore, #tpu.memory_space<semaphore_mem>>) src(%dma_wait3A_65 : memref<640x128xf32, #tpu.memory_space<vmem_shared>>) dst(%dma_wait3A_63 : memref<640x128xf32, #tpu.memory_space<hbm>>)
      tpu.yield
    }) : () -> ()
    return
  }
}

#map = affine_map<(d0, d1) -> (0, 0)>
#map1 = affine_map<(d0, d1) -> (0, 0, 0)>
module attributes {stable_mosaic.version = 14 : i64} {
  func.func @_sc_aggregate(%arg0: i32, %arg1: i32, %arg2: memref<10240x128xf32, #tpu.memory_space<hbm>>, %arg3: memref<2560x2x128xi32, #tpu.memory_space<hbm>>, %arg4: memref<2x10240x128xf32, #tpu.memory_space<hbm>>, %arg5: memref<2x128xi32, #tpu.memory_space<vmem>>, %arg6: memref<2x128xi32, #tpu.memory_space<vmem>>, %arg7: memref<128x128xf32, #tpu.memory_space<vmem>>, %arg8: memref<128x128xf32, #tpu.memory_space<vmem>>, %arg9: memref<10240x128xf32, #tpu.memory_space<vmem_shared>>, %arg10: memref<!tpu.dma_semaphore, #tpu.memory_space<semaphore_mem>>, %arg11: memref<!tpu.dma_semaphore, #tpu.memory_space<semaphore_mem>>) attributes {dimension_semantics = [#tpu.dimension_semantics<core_parallel>, #tpu.dimension_semantics<subcore_parallel>], iteration_bounds = array<i64: 2, 16>, scalar_prefetch = 0 : i64, scratch_operands = 7 : i64, tpu.core_type = #tpu.core_type<sc_vector_subcore>, window_params = [{transform_indices = #map}, {transform_indices = #map1}, {transform_indices = #map1}]} {
    %broadcast_in_dim3A = arith.constant 0.000000e+00 : f32
    %broadcast_in_dim3A_0 = vector.broadcast %broadcast_in_dim3A : f32 to vector<16xf32>
    %mul3A = arith.constant 2 : i32
    %mul3A_1 = arith.muli %arg1, %mul3A : i32
    %add3A = arith.addi %mul3A_1, %arg0 : i32
    %mul3A_2 = arith.constant 80 : i32
    %mul3A_3 = arith.muli %add3A, %mul3A_2 : i32
    %scan3A = arith.constant 0 : i32
    %scan3A_4 = arith.constant 0 : i32
    %scan3A_5 = arith.constant 1024 : i32
    %scan3A_6 = arith.addi %scan3A_4, %scan3A_5 : i32
    %scan3A_7 = arith.constant 1 : i32
    scf.for %scan3A_57 = %scan3A_4 to %scan3A_6 step %scan3A_7  : i32 {
      %jit3A = arith.constant 8 : i32
      %div3A = arith.divsi %scan3A_57, %jit3A : i32
      %sign3A = arith.constant 0 : i32
      %sign3A_58 = arith.cmpi sgt, %scan3A_57, %sign3A : i32
      %sign3A_59 = arith.extui %sign3A_58 : i1 to i32
      %sign3A_60 = arith.constant 0 : i32
      %sign3A_61 = arith.cmpi slt, %scan3A_57, %sign3A_60 : i32
      %sign3A_62 = arith.extui %sign3A_61 : i1 to i32
      %sign3A_63 = arith.subi %sign3A_59, %sign3A_62 : i32
      %sign3A_64 = arith.constant 0 : i32
      %sign3A_65 = arith.cmpi sgt, %jit3A, %sign3A_64 : i32
      %sign3A_66 = arith.extui %sign3A_65 : i1 to i32
      %sign3A_67 = arith.constant 0 : i32
      %sign3A_68 = arith.cmpi slt, %jit3A, %sign3A_67 : i32
      %sign3A_69 = arith.extui %sign3A_68 : i1 to i32
      %sign3A_70 = arith.subi %sign3A_66, %sign3A_69 : i32
      %ne3A = arith.cmpi ne, %sign3A_63, %sign3A_70 : i32
      %rem3A = arith.remsi %scan3A_57, %jit3A : i32
      %ne3A_71 = arith.constant 0 : i32
      %ne3A_72 = arith.cmpi ne, %rem3A, %ne3A_71 : i32
      %and3A = arith.andi %ne3A, %ne3A_72 : i1
      %sub3A = arith.constant 1 : i32
      %sub3A_73 = arith.subi %div3A, %sub3A : i32
      %select_n3A = arith.select %and3A, %sub3A_73, %div3A : i32
      %mul3A_74 = arith.constant 8 : i32
      %mul3A_75 = arith.muli %select_n3A, %mul3A_74 : i32
      %sub3A_76 = arith.subi %scan3A_57, %mul3A_75 : i32
      %mul3A_77 = arith.constant 16 : i32
      %mul3A_78 = arith.muli %sub3A_76, %mul3A_77 : i32
      %swap3A = arith.index_cast %select_n3A : i32 to index
      %swap3A_79 = arith.index_cast %mul3A_78 : i32 to index
      %swap3A_80 = tpu.vector_load %arg7[%swap3A, %swap3A_79] {strides = array<i32>} : memref<128x128xf32, #tpu.memory_space<vmem>>, vector<16xf32>,
      tpu.vector_store %arg7[%swap3A, %swap3A_79], %broadcast_in_dim3A_0 {strides = array<i32>} : memref<128x128xf32, #tpu.memory_space<vmem>>, vector<16xf32>,
    }
    %scan3A_8 = arith.constant 1024 : i32
    %mul3A_9 = arith.constant 640 : i32
    %mul3A_10 = arith.muli %arg1, %mul3A_9 : i32
    %add3A_11 = arith.constant 0 : i32
    %add3A_12 = arith.addi %mul3A_10, %add3A_11 : i32
    "tpu.region"() ({
      %run_scoped3A = tpu.sem_alloc : memref<!tpu.dma_semaphore, #tpu.memory_space<semaphore_mem>>
      %dma_start3A_57 = arith.constant 0 : i32
      %dma_start3A_58 = tpu.memref_slice %arg9[%add3A_12, %dma_start3A_57] : memref<10240x128xf32, #tpu.memory_space<vmem_shared>> -> memref<128x128xf32, #tpu.memory_space<vmem_shared>>
      %dma_start3A_59 = arith.constant 0 : i32
      %dma_start3A_60 = tpu.memref_slice %arg9[%add3A_12, %dma_start3A_59] : memref<10240x128xf32, #tpu.memory_space<vmem_shared>> -> memref<128x128xf32, #tpu.memory_space<vmem_shared>>
      tpu.enqueue_dma source(%arg7 : memref<128x128xf32, #tpu.memory_space<vmem>>) target(%dma_start3A_60 : memref<128x128xf32, #tpu.memory_space<vmem_shared>>) target_semaphore(%run_scoped3A : memref<!tpu.dma_semaphore, #tpu.memory_space<semaphore_mem>>)
      %dma_wait3A = arith.constant 0 : i32
      %dma_wait3A_61 = tpu.memref_slice %arg9[%add3A_12, %dma_wait3A] : memref<10240x128xf32, #tpu.memory_space<vmem_shared>> -> memref<128x128xf32, #tpu.memory_space<vmem_shared>>
      %dma_wait3A_62 = arith.constant 0 : i32
      %dma_wait3A_63 = tpu.memref_slice %arg9[%add3A_12, %dma_wait3A_62] : memref<10240x128xf32, #tpu.memory_space<vmem_shared>> -> memref<128x128xf32, #tpu.memory_space<vmem_shared>>
      tpu.wait_dma2 semaphore(%run_scoped3A : memref<!tpu.dma_semaphore, #tpu.memory_space<semaphore_mem>>) src(%arg7 : memref<128x128xf32, #tpu.memory_space<vmem>>) dst(%dma_wait3A_63 : memref<128x128xf32, #tpu.memory_space<vmem_shared>>)
      tpu.yield
    }) : () -> ()
    %mul3A_13 = arith.constant 640 : i32
    %mul3A_14 = arith.muli %arg1, %mul3A_13 : i32
    %add3A_15 = arith.constant 128 : i32
    %add3A_16 = arith.addi %mul3A_14, %add3A_15 : i32
    "tpu.region"() ({
      %run_scoped3A = tpu.sem_alloc : memref<!tpu.dma_semaphore, #tpu.memory_space<semaphore_mem>>
      %dma_start3A_57 = arith.constant 0 : i32
      %dma_start3A_58 = tpu.memref_slice %arg9[%add3A_16, %dma_start3A_57] : memref<10240x128xf32, #tpu.memory_space<vmem_shared>> -> memref<128x128xf32, #tpu.memory_space<vmem_shared>>
      %dma_start3A_59 = arith.constant 0 : i32
      %dma_start3A_60 = tpu.memref_slice %arg9[%add3A_16, %dma_start3A_59] : memref<10240x128xf32, #tpu.memory_space<vmem_shared>> -> memref<128x128xf32, #tpu.memory_space<vmem_shared>>
      tpu.enqueue_dma source(%arg7 : memref<128x128xf32, #tpu.memory_space<vmem>>) target(%dma_start3A_60 : memref<128x128xf32, #tpu.memory_space<vmem_shared>>) target_semaphore(%run_scoped3A : memref<!tpu.dma_semaphore, #tpu.memory_space<semaphore_mem>>)
      %dma_wait3A = arith.constant 0 : i32
      %dma_wait3A_61 = tpu.memref_slice %arg9[%add3A_16, %dma_wait3A] : memref<10240x128xf32, #tpu.memory_space<vmem_shared>> -> memref<128x128xf32, #tpu.memory_space<vmem_shared>>
      %dma_wait3A_62 = arith.constant 0 : i32
      %dma_wait3A_63 = tpu.memref_slice %arg9[%add3A_16, %dma_wait3A_62] : memref<10240x128xf32, #tpu.memory_space<vmem_shared>> -> memref<128x128xf32, #tpu.memory_space<vmem_shared>>
      tpu.wait_dma2 semaphore(%run_scoped3A : memref<!tpu.dma_semaphore, #tpu.memory_space<semaphore_mem>>) src(%arg7 : memref<128x128xf32, #tpu.memory_space<vmem>>) dst(%dma_wait3A_63 : memref<128x128xf32, #tpu.memory_space<vmem_shared>>)
      tpu.yield
    }) : () -> ()
    %mul3A_17 = arith.constant 640 : i32
    %mul3A_18 = arith.muli %arg1, %mul3A_17 : i32
    %add3A_19 = arith.constant 256 : i32
    %add3A_20 = arith.addi %mul3A_18, %add3A_19 : i32
    "tpu.region"() ({
      %run_scoped3A = tpu.sem_alloc : memref<!tpu.dma_semaphore, #tpu.memory_space<semaphore_mem>>
      %dma_start3A_57 = arith.constant 0 : i32
      %dma_start3A_58 = tpu.memref_slice %arg9[%add3A_20, %dma_start3A_57] : memref<10240x128xf32, #tpu.memory_space<vmem_shared>> -> memref<128x128xf32, #tpu.memory_space<vmem_shared>>
      %dma_start3A_59 = arith.constant 0 : i32
      %dma_start3A_60 = tpu.memref_slice %arg9[%add3A_20, %dma_start3A_59] : memref<10240x128xf32, #tpu.memory_space<vmem_shared>> -> memref<128x128xf32, #tpu.memory_space<vmem_shared>>
      tpu.enqueue_dma source(%arg7 : memref<128x128xf32, #tpu.memory_space<vmem>>) target(%dma_start3A_60 : memref<128x128xf32, #tpu.memory_space<vmem_shared>>) target_semaphore(%run_scoped3A : memref<!tpu.dma_semaphore, #tpu.memory_space<semaphore_mem>>)
      %dma_wait3A = arith.constant 0 : i32
      %dma_wait3A_61 = tpu.memref_slice %arg9[%add3A_20, %dma_wait3A] : memref<10240x128xf32, #tpu.memory_space<vmem_shared>> -> memref<128x128xf32, #tpu.memory_space<vmem_shared>>
      %dma_wait3A_62 = arith.constant 0 : i32
      %dma_wait3A_63 = tpu.memref_slice %arg9[%add3A_20, %dma_wait3A_62] : memref<10240x128xf32, #tpu.memory_space<vmem_shared>> -> memref<128x128xf32, #tpu.memory_space<vmem_shared>>
      tpu.wait_dma2 semaphore(%run_scoped3A : memref<!tpu.dma_semaphore, #tpu.memory_space<semaphore_mem>>) src(%arg7 : memref<128x128xf32, #tpu.memory_space<vmem>>) dst(%dma_wait3A_63 : memref<128x128xf32, #tpu.memory_space<vmem_shared>>)
      tpu.yield
    }) : () -> ()
    %mul3A_21 = arith.constant 640 : i32
    %mul3A_22 = arith.muli %arg1, %mul3A_21 : i32
    %add3A_23 = arith.constant 384 : i32
    %add3A_24 = arith.addi %mul3A_22, %add3A_23 : i32
    "tpu.region"() ({
      %run_scoped3A = tpu.sem_alloc : memref<!tpu.dma_semaphore, #tpu.memory_space<semaphore_mem>>
      %dma_start3A_57 = arith.constant 0 : i32
      %dma_start3A_58 = tpu.memref_slice %arg9[%add3A_24, %dma_start3A_57] : memref<10240x128xf32, #tpu.memory_space<vmem_shared>> -> memref<128x128xf32, #tpu.memory_space<vmem_shared>>
      %dma_start3A_59 = arith.constant 0 : i32
      %dma_start3A_60 = tpu.memref_slice %arg9[%add3A_24, %dma_start3A_59] : memref<10240x128xf32, #tpu.memory_space<vmem_shared>> -> memref<128x128xf32, #tpu.memory_space<vmem_shared>>
      tpu.enqueue_dma source(%arg7 : memref<128x128xf32, #tpu.memory_space<vmem>>) target(%dma_start3A_60 : memref<128x128xf32, #tpu.memory_space<vmem_shared>>) target_semaphore(%run_scoped3A : memref<!tpu.dma_semaphore, #tpu.memory_space<semaphore_mem>>)
      %dma_wait3A = arith.constant 0 : i32
      %dma_wait3A_61 = tpu.memref_slice %arg9[%add3A_24, %dma_wait3A] : memref<10240x128xf32, #tpu.memory_space<vmem_shared>> -> memref<128x128xf32, #tpu.memory_space<vmem_shared>>
      %dma_wait3A_62 = arith.constant 0 : i32
      %dma_wait3A_63 = tpu.memref_slice %arg9[%add3A_24, %dma_wait3A_62] : memref<10240x128xf32, #tpu.memory_space<vmem_shared>> -> memref<128x128xf32, #tpu.memory_space<vmem_shared>>
      tpu.wait_dma2 semaphore(%run_scoped3A : memref<!tpu.dma_semaphore, #tpu.memory_space<semaphore_mem>>) src(%arg7 : memref<128x128xf32, #tpu.memory_space<vmem>>) dst(%dma_wait3A_63 : memref<128x128xf32, #tpu.memory_space<vmem_shared>>)
      tpu.yield
    }) : () -> ()
    %mul3A_25 = arith.constant 640 : i32
    %mul3A_26 = arith.muli %arg1, %mul3A_25 : i32
    %add3A_27 = arith.constant 512 : i32
    %add3A_28 = arith.addi %mul3A_26, %add3A_27 : i32
    "tpu.region"() ({
      %run_scoped3A = tpu.sem_alloc : memref<!tpu.dma_semaphore, #tpu.memory_space<semaphore_mem>>
      %dma_start3A_57 = arith.constant 0 : i32
      %dma_start3A_58 = tpu.memref_slice %arg9[%add3A_28, %dma_start3A_57] : memref<10240x128xf32, #tpu.memory_space<vmem_shared>> -> memref<128x128xf32, #tpu.memory_space<vmem_shared>>
      %dma_start3A_59 = arith.constant 0 : i32
      %dma_start3A_60 = tpu.memref_slice %arg9[%add3A_28, %dma_start3A_59] : memref<10240x128xf32, #tpu.memory_space<vmem_shared>> -> memref<128x128xf32, #tpu.memory_space<vmem_shared>>
      tpu.enqueue_dma source(%arg7 : memref<128x128xf32, #tpu.memory_space<vmem>>) target(%dma_start3A_60 : memref<128x128xf32, #tpu.memory_space<vmem_shared>>) target_semaphore(%run_scoped3A : memref<!tpu.dma_semaphore, #tpu.memory_space<semaphore_mem>>)
      %dma_wait3A = arith.constant 0 : i32
      %dma_wait3A_61 = tpu.memref_slice %arg9[%add3A_28, %dma_wait3A] : memref<10240x128xf32, #tpu.memory_space<vmem_shared>> -> memref<128x128xf32, #tpu.memory_space<vmem_shared>>
      %dma_wait3A_62 = arith.constant 0 : i32
      %dma_wait3A_63 = tpu.memref_slice %arg9[%add3A_28, %dma_wait3A_62] : memref<10240x128xf32, #tpu.memory_space<vmem_shared>> -> memref<128x128xf32, #tpu.memory_space<vmem_shared>>
      tpu.wait_dma2 semaphore(%run_scoped3A : memref<!tpu.dma_semaphore, #tpu.memory_space<semaphore_mem>>) src(%arg7 : memref<128x128xf32, #tpu.memory_space<vmem>>) dst(%dma_wait3A_63 : memref<128x128xf32, #tpu.memory_space<vmem_shared>>)
      tpu.yield
    }) : () -> ()
    %add3A_29 = arith.constant 0 : i32
    %add3A_30 = arith.addi %mul3A_3, %add3A_29 : i32
    "tpu.region"() ({
      %run_scoped3A = tpu.sem_alloc : memref<!tpu.dma_semaphore, #tpu.memory_space<semaphore_mem>>
      %dma_start3A_57 = arith.constant 0 : i32
      %dma_start3A_58 = arith.constant 0 : i32
      %dma_start3A_59 = tpu.memref_slice %arg3[%add3A_30, %dma_start3A_57, %dma_start3A_58] : memref<2560x2x128xi32, #tpu.memory_space<hbm>> -> memref<1x2x128xi32, #tpu.memory_space<hbm>>
      %dma_start3A_60 = tpu.memref_squeeze %dma_start3A_59 : memref<1x2x128xi32, #tpu.memory_space<hbm>> -> memref<2x128xi32, #tpu.memory_space<hbm>>
      %dma_start3A_61 = arith.constant 0 : i32
      %dma_start3A_62 = arith.constant 0 : i32
      %dma_start3A_63 = tpu.memref_slice %arg3[%add3A_30, %dma_start3A_61, %dma_start3A_62] : memref<2560x2x128xi32, #tpu.memory_space<hbm>> -> memref<1x2x128xi32, #tpu.memory_space<hbm>>
      %dma_start3A_64 = tpu.memref_squeeze %dma_start3A_63 : memref<1x2x128xi32, #tpu.memory_space<hbm>> -> memref<2x128xi32, #tpu.memory_space<hbm>>
      tpu.enqueue_dma source(%dma_start3A_64 : memref<2x128xi32, #tpu.memory_space<hbm>>) target(%arg5 : memref<2x128xi32, #tpu.memory_space<vmem>>) target_semaphore(%run_scoped3A : memref<!tpu.dma_semaphore, #tpu.memory_space<semaphore_mem>>)
      %dma_wait3A = arith.constant 0 : i32
      %dma_wait3A_65 = arith.constant 0 : i32
      %dma_wait3A_66 = tpu.memref_slice %arg3[%add3A_30, %dma_wait3A, %dma_wait3A_65] : memref<2560x2x128xi32, #tpu.memory_space<hbm>> -> memref<1x2x128xi32, #tpu.memory_space<hbm>>
      %dma_wait3A_67 = tpu.memref_squeeze %dma_wait3A_66 : memref<1x2x128xi32, #tpu.memory_space<hbm>> -> memref<2x128xi32, #tpu.memory_space<hbm>>
      %dma_wait3A_68 = arith.constant 0 : i32
      %dma_wait3A_69 = arith.constant 0 : i32
      %dma_wait3A_70 = tpu.memref_slice %arg3[%add3A_30, %dma_wait3A_68, %dma_wait3A_69] : memref<2560x2x128xi32, #tpu.memory_space<hbm>> -> memref<1x2x128xi32, #tpu.memory_space<hbm>>
      %dma_wait3A_71 = tpu.memref_squeeze %dma_wait3A_70 : memref<1x2x128xi32, #tpu.memory_space<hbm>> -> memref<2x128xi32, #tpu.memory_space<hbm>>
      tpu.wait_dma2 semaphore(%run_scoped3A : memref<!tpu.dma_semaphore, #tpu.memory_space<semaphore_mem>>) src(%dma_wait3A_71 : memref<2x128xi32, #tpu.memory_space<hbm>>) dst(%arg5 : memref<2x128xi32, #tpu.memory_space<vmem>>)
      tpu.yield
    }) : () -> ()
    %dma_start3A = arith.constant 0 : i32
    %dma_start3A_31 = arith.constant 0 : i32
    %dma_start3A_32 = tpu.memref_slice %arg5[%dma_start3A, %dma_start3A_31] : memref<2x128xi32, #tpu.memory_space<vmem>> -> memref<1x128xi32, #tpu.memory_space<vmem>>
    %dma_start3A_33 = tpu.memref_squeeze %dma_start3A_32 : memref<1x128xi32, #tpu.memory_space<vmem>> -> memref<128xi32, #tpu.memory_space<vmem>>
    %dma_start3A_34 = arith.constant 0 : i32
    %dma_start3A_35 = arith.constant 0 : i32
    %dma_start3A_36 = tpu.memref_slice %arg2[%dma_start3A_34, %dma_start3A_35] : memref<10240x128xf32, #tpu.memory_space<hbm>> -> memref<10240x128xf32, #tpu.memory_space<hbm>>
    tpu.enqueue_indirect_dma source(%dma_start3A_36 : memref<10240x128xf32, #tpu.memory_space<hbm>>) target(%arg7 : memref<128x128xf32, #tpu.memory_space<vmem>>) offsets(%dma_start3A_33 : memref<128xi32, #tpu.memory_space<vmem>>) semaphore(%arg10 : memref<!tpu.dma_semaphore, #tpu.memory_space<semaphore_mem>>)
    %add3A_37 = arith.constant 1 : i32
    %add3A_38 = arith.addi %mul3A_3, %add3A_37 : i32
    "tpu.region"() ({
      %run_scoped3A = tpu.sem_alloc : memref<!tpu.dma_semaphore, #tpu.memory_space<semaphore_mem>>
      %dma_start3A_57 = arith.constant 0 : i32
      %dma_start3A_58 = arith.constant 0 : i32
      %dma_start3A_59 = tpu.memref_slice %arg3[%add3A_38, %dma_start3A_57, %dma_start3A_58] : memref<2560x2x128xi32, #tpu.memory_space<hbm>> -> memref<1x2x128xi32, #tpu.memory_space<hbm>>
      %dma_start3A_60 = tpu.memref_squeeze %dma_start3A_59 : memref<1x2x128xi32, #tpu.memory_space<hbm>> -> memref<2x128xi32, #tpu.memory_space<hbm>>
      %dma_start3A_61 = arith.constant 0 : i32
      %dma_start3A_62 = arith.constant 0 : i32
      %dma_start3A_63 = tpu.memref_slice %arg3[%add3A_38, %dma_start3A_61, %dma_start3A_62] : memref<2560x2x128xi32, #tpu.memory_space<hbm>> -> memref<1x2x128xi32, #tpu.memory_space<hbm>>
      %dma_start3A_64 = tpu.memref_squeeze %dma_start3A_63 : memref<1x2x128xi32, #tpu.memory_space<hbm>> -> memref<2x128xi32, #tpu.memory_space<hbm>>
      tpu.enqueue_dma source(%dma_start3A_64 : memref<2x128xi32, #tpu.memory_space<hbm>>) target(%arg6 : memref<2x128xi32, #tpu.memory_space<vmem>>) target_semaphore(%run_scoped3A : memref<!tpu.dma_semaphore, #tpu.memory_space<semaphore_mem>>)
      %dma_wait3A = arith.constant 0 : i32
      %dma_wait3A_65 = arith.constant 0 : i32
      %dma_wait3A_66 = tpu.memref_slice %arg3[%add3A_38, %dma_wait3A, %dma_wait3A_65] : memref<2560x2x128xi32, #tpu.memory_space<hbm>> -> memref<1x2x128xi32, #tpu.memory_space<hbm>>
      %dma_wait3A_67 = tpu.memref_squeeze %dma_wait3A_66 : memref<1x2x128xi32, #tpu.memory_space<hbm>> -> memref<2x128xi32, #tpu.memory_space<hbm>>
      %dma_wait3A_68 = arith.constant 0 : i32
      %dma_wait3A_69 = arith.constant 0 : i32
      %dma_wait3A_70 = tpu.memref_slice %arg3[%add3A_38, %dma_wait3A_68, %dma_wait3A_69] : memref<2560x2x128xi32, #tpu.memory_space<hbm>> -> memref<1x2x128xi32, #tpu.memory_space<hbm>>
      %dma_wait3A_71 = tpu.memref_squeeze %dma_wait3A_70 : memref<1x2x128xi32, #tpu.memory_space<hbm>> -> memref<2x128xi32, #tpu.memory_space<hbm>>
      tpu.wait_dma2 semaphore(%run_scoped3A : memref<!tpu.dma_semaphore, #tpu.memory_space<semaphore_mem>>) src(%dma_wait3A_71 : memref<2x128xi32, #tpu.memory_space<hbm>>) dst(%arg6 : memref<2x128xi32, #tpu.memory_space<vmem>>)
      tpu.yield
    }) : () -> ()
    %dma_start3A_39 = arith.constant 0 : i32
    %dma_start3A_40 = arith.constant 0 : i32
    %dma_start3A_41 = tpu.memref_slice %arg6[%dma_start3A_39, %dma_start3A_40] : memref<2x128xi32, #tpu.memory_space<vmem>> -> memref<1x128xi32, #tpu.memory_space<vmem>>
    %dma_start3A_42 = tpu.memref_squeeze %dma_start3A_41 : memref<1x128xi32, #tpu.memory_space<vmem>> -> memref<128xi32, #tpu.memory_space<vmem>>
    %dma_start3A_43 = arith.constant 0 : i32
    %dma_start3A_44 = arith.constant 0 : i32
    %dma_start3A_45 = tpu.memref_slice %arg2[%dma_start3A_43, %dma_start3A_44] : memref<10240x128xf32, #tpu.memory_space<hbm>> -> memref<10240x128xf32, #tpu.memory_space<hbm>>
    tpu.enqueue_indirect_dma source(%dma_start3A_45 : memref<10240x128xf32, #tpu.memory_space<hbm>>) target(%arg8 : memref<128x128xf32, #tpu.memory_space<vmem>>) offsets(%dma_start3A_42 : memref<128xi32, #tpu.memory_space<vmem>>) semaphore(%arg11 : memref<!tpu.dma_semaphore, #tpu.memory_space<semaphore_mem>>)
    %barrier3A = arith.constant 0 : index
    tpu.barrier barrier_id(%barrier3A)
    %scan3A_46 = arith.constant 0 : i32
    %scan3A_47 = arith.constant 0 : i32
    %scan3A_48 = arith.constant 40 : i32
    %scan3A_49 = arith.addi %scan3A_47, %scan3A_48 : i32
    %scan3A_50 = arith.constant 1 : i32
    scf.for %scan3A_57 = %scan3A_47 to %scan3A_49 step %scan3A_50  : i32 {
      %mul3A_58 = arith.constant 2 : i32
      %mul3A_59 = arith.muli %scan3A_57, %mul3A_58 : i32
      %add3A_60 = arith.constant 0 : i32
      %add3A_61 = arith.addi %mul3A_59, %add3A_60 : i32
      %dma_wait3A = arith.constant 0 : i32
      %dma_wait3A_62 = arith.constant 0 : i32
      %dma_wait3A_63 = tpu.memref_slice %arg5[%dma_wait3A, %dma_wait3A_62] : memref<2x128xi32, #tpu.memory_space<vmem>> -> memref<1x128xi32, #tpu.memory_space<vmem>>
      %dma_wait3A_64 = tpu.memref_squeeze %dma_wait3A_63 : memref<1x128xi32, #tpu.memory_space<vmem>> -> memref<128xi32, #tpu.memory_space<vmem>>
      %dma_wait3A_65 = arith.constant 0 : i32
      %dma_wait3A_66 = arith.constant 0 : i32
      %dma_wait3A_67 = tpu.memref_slice %arg2[%dma_wait3A_65, %dma_wait3A_66] : memref<10240x128xf32, #tpu.memory_space<hbm>> -> memref<10240x128xf32, #tpu.memory_space<hbm>>
      tpu.wait_indirect_dma semaphore(%arg10 : memref<!tpu.dma_semaphore, #tpu.memory_space<semaphore_mem>>) src(%dma_wait3A_67 : memref<10240x128xf32, #tpu.memory_space<hbm>>) dst(%arg7 : memref<128x128xf32, #tpu.memory_space<vmem>>)
      %run_scoped3A = arith.constant 1 : i32
      "tpu.region"() ({
        %run_scoped3A_87 = tpu.sem_alloc : memref<!tpu.dma_semaphore, #tpu.memory_space<semaphore_mem>>
        %dma_start3A_88 = arith.constant 0 : i32
        %dma_start3A_89 = tpu.memref_slice %arg5[%run_scoped3A, %dma_start3A_88] : memref<2x128xi32, #tpu.memory_space<vmem>> -> memref<1x128xi32, #tpu.memory_space<vmem>>
        %dma_start3A_90 = tpu.memref_squeeze %dma_start3A_89 : memref<1x128xi32, #tpu.memory_space<vmem>> -> memref<128xi32, #tpu.memory_space<vmem>>
        %dma_start3A_91 = arith.constant 0 : i32
        %dma_start3A_92 = arith.constant 0 : i32
        %dma_start3A_93 = tpu.memref_slice %arg9[%dma_start3A_91, %dma_start3A_92] : memref<10240x128xf32, #tpu.memory_space<vmem_shared>> -> memref<10240x128xf32, #tpu.memory_space<vmem_shared>>
        tpu.enqueue_indirect_dma source(%arg7 : memref<128x128xf32, #tpu.memory_space<vmem>>) target(%dma_start3A_93 : memref<10240x128xf32, #tpu.memory_space<vmem_shared>>) offsets(%dma_start3A_90 : memref<128xi32, #tpu.memory_space<vmem>>) semaphore(%run_scoped3A_87 : memref<!tpu.dma_semaphore, #tpu.memory_space<semaphore_mem>>) {add = true}
        %dma_wait3A_94 = arith.constant 0 : i32
        %dma_wait3A_95 = tpu.memref_slice %arg5[%run_scoped3A, %dma_wait3A_94] : memref<2x128xi32, #tpu.memory_space<vmem>> -> memref<1x128xi32, #tpu.memory_space<vmem>>
        %dma_wait3A_96 = tpu.memref_squeeze %dma_wait3A_95 : memref<1x128xi32, #tpu.memory_space<vmem>> -> memref<128xi32, #tpu.memory_space<vmem>>
        %dma_wait3A_97 = arith.constant 0 : i32
        %dma_wait3A_98 = arith.constant 0 : i32
        %dma_wait3A_99 = tpu.memref_slice %arg9[%dma_wait3A_97, %dma_wait3A_98] : memref<10240x128xf32, #tpu.memory_space<vmem_shared>> -> memref<10240x128xf32, #tpu.memory_space<vmem_shared>>
        tpu.wait_indirect_dma semaphore(%run_scoped3A_87 : memref<!tpu.dma_semaphore, #tpu.memory_space<semaphore_mem>>) src(%arg7 : memref<128x128xf32, #tpu.memory_space<vmem>>) dst(%dma_wait3A_99 : memref<10240x128xf32, #tpu.memory_space<vmem_shared>>)
        tpu.yield
      }) : () -> ()
      %lt3A = arith.constant 39 : i32
      %lt3A_68 = arith.cmpi slt, %scan3A_57, %lt3A : i32
      %convert_element_type3A = arith.extui %lt3A_68 : i1 to i32
      %cond3A = arith.constant 0 : i32
      %cond3A_69 = arith.cmpi ne, %convert_element_type3A, %cond3A : i32
      scf.if %cond3A_69 {
        %add3A_87 = arith.addi %mul3A_3, %add3A_61 : i32
        %add3A_88 = arith.constant 2 : i32
        %add3A_89 = arith.addi %add3A_87, %add3A_88 : i32
        "tpu.region"() ({
          %run_scoped3A_97 = tpu.sem_alloc : memref<!tpu.dma_semaphore, #tpu.memory_space<semaphore_mem>>
          %dma_start3A_98 = arith.constant 0 : i32
          %dma_start3A_99 = arith.constant 0 : i32
          %dma_start3A_100 = tpu.memref_slice %arg3[%add3A_89, %dma_start3A_98, %dma_start3A_99] : memref<2560x2x128xi32, #tpu.memory_space<hbm>> -> memref<1x2x128xi32, #tpu.memory_space<hbm>>
          %dma_start3A_101 = tpu.memref_squeeze %dma_start3A_100 : memref<1x2x128xi32, #tpu.memory_space<hbm>> -> memref<2x128xi32, #tpu.memory_space<hbm>>
          %dma_start3A_102 = arith.constant 0 : i32
          %dma_start3A_103 = arith.constant 0 : i32
          %dma_start3A_104 = tpu.memref_slice %arg3[%add3A_89, %dma_start3A_102, %dma_start3A_103] : memref<2560x2x128xi32, #tpu.memory_space<hbm>> -> memref<1x2x128xi32, #tpu.memory_space<hbm>>
          %dma_start3A_105 = tpu.memref_squeeze %dma_start3A_104 : memref<1x2x128xi32, #tpu.memory_space<hbm>> -> memref<2x128xi32, #tpu.memory_space<hbm>>
          tpu.enqueue_dma source(%dma_start3A_105 : memref<2x128xi32, #tpu.memory_space<hbm>>) target(%arg5 : memref<2x128xi32, #tpu.memory_space<vmem>>) target_semaphore(%run_scoped3A_97 : memref<!tpu.dma_semaphore, #tpu.memory_space<semaphore_mem>>)
          %dma_wait3A_106 = arith.constant 0 : i32
          %dma_wait3A_107 = arith.constant 0 : i32
          %dma_wait3A_108 = tpu.memref_slice %arg3[%add3A_89, %dma_wait3A_106, %dma_wait3A_107] : memref<2560x2x128xi32, #tpu.memory_space<hbm>> -> memref<1x2x128xi32, #tpu.memory_space<hbm>>
          %dma_wait3A_109 = tpu.memref_squeeze %dma_wait3A_108 : memref<1x2x128xi32, #tpu.memory_space<hbm>> -> memref<2x128xi32, #tpu.memory_space<hbm>>
          %dma_wait3A_110 = arith.constant 0 : i32
          %dma_wait3A_111 = arith.constant 0 : i32
          %dma_wait3A_112 = tpu.memref_slice %arg3[%add3A_89, %dma_wait3A_110, %dma_wait3A_111] : memref<2560x2x128xi32, #tpu.memory_space<hbm>> -> memref<1x2x128xi32, #tpu.memory_space<hbm>>
          %dma_wait3A_113 = tpu.memref_squeeze %dma_wait3A_112 : memref<1x2x128xi32, #tpu.memory_space<hbm>> -> memref<2x128xi32, #tpu.memory_space<hbm>>
          tpu.wait_dma2 semaphore(%run_scoped3A_97 : memref<!tpu.dma_semaphore, #tpu.memory_space<semaphore_mem>>) src(%dma_wait3A_113 : memref<2x128xi32, #tpu.memory_space<hbm>>) dst(%arg5 : memref<2x128xi32, #tpu.memory_space<vmem>>)
          tpu.yield
        }) : () -> ()
        %dma_start3A_90 = arith.constant 0 : i32
        %dma_start3A_91 = arith.constant 0 : i32
        %dma_start3A_92 = tpu.memref_slice %arg5[%dma_start3A_90, %dma_start3A_91] : memref<2x128xi32, #tpu.memory_space<vmem>> -> memref<1x128xi32, #tpu.memory_space<vmem>>
        %dma_start3A_93 = tpu.memref_squeeze %dma_start3A_92 : memref<1x128xi32, #tpu.memory_space<vmem>> -> memref<128xi32, #tpu.memory_space<vmem>>
        %dma_start3A_94 = arith.constant 0 : i32
        %dma_start3A_95 = arith.constant 0 : i32
        %dma_start3A_96 = tpu.memref_slice %arg2[%dma_start3A_94, %dma_start3A_95] : memref<10240x128xf32, #tpu.memory_space<hbm>> -> memref<10240x128xf32, #tpu.memory_space<hbm>>
        tpu.enqueue_indirect_dma source(%dma_start3A_96 : memref<10240x128xf32, #tpu.memory_space<hbm>>) target(%arg7 : memref<128x128xf32, #tpu.memory_space<vmem>>) offsets(%dma_start3A_93 : memref<128xi32, #tpu.memory_space<vmem>>) semaphore(%arg10 : memref<!tpu.dma_semaphore, #tpu.memory_space<semaphore_mem>>)
      } else {
      }
      %mul3A_70 = arith.constant 2 : i32
      %mul3A_71 = arith.muli %scan3A_57, %mul3A_70 : i32
      %add3A_72 = arith.constant 1 : i32
      %add3A_73 = arith.addi %mul3A_71, %add3A_72 : i32
      %dma_wait3A_74 = arith.constant 0 : i32
      %dma_wait3A_75 = arith.constant 0 : i32
      %dma_wait3A_76 = tpu.memref_slice %arg6[%dma_wait3A_74, %dma_wait3A_75] : memref<2x128xi32, #tpu.memory_space<vmem>> -> memref<1x128xi32, #tpu.memory_space<vmem>>
      %dma_wait3A_77 = tpu.memref_squeeze %dma_wait3A_76 : memref<1x128xi32, #tpu.memory_space<vmem>> -> memref<128xi32, #tpu.memory_space<vmem>>
      %dma_wait3A_78 = arith.constant 0 : i32
      %dma_wait3A_79 = arith.constant 0 : i32
      %dma_wait3A_80 = tpu.memref_slice %arg2[%dma_wait3A_78, %dma_wait3A_79] : memref<10240x128xf32, #tpu.memory_space<hbm>> -> memref<10240x128xf32, #tpu.memory_space<hbm>>
      tpu.wait_indirect_dma semaphore(%arg11 : memref<!tpu.dma_semaphore, #tpu.memory_space<semaphore_mem>>) src(%dma_wait3A_80 : memref<10240x128xf32, #tpu.memory_space<hbm>>) dst(%arg8 : memref<128x128xf32, #tpu.memory_space<vmem>>)
      %run_scoped3A_81 = arith.constant 1 : i32
      "tpu.region"() ({
        %run_scoped3A_87 = tpu.sem_alloc : memref<!tpu.dma_semaphore, #tpu.memory_space<semaphore_mem>>
        %dma_start3A_88 = arith.constant 0 : i32
        %dma_start3A_89 = tpu.memref_slice %arg6[%run_scoped3A_81, %dma_start3A_88] : memref<2x128xi32, #tpu.memory_space<vmem>> -> memref<1x128xi32, #tpu.memory_space<vmem>>
        %dma_start3A_90 = tpu.memref_squeeze %dma_start3A_89 : memref<1x128xi32, #tpu.memory_space<vmem>> -> memref<128xi32, #tpu.memory_space<vmem>>
        %dma_start3A_91 = arith.constant 0 : i32
        %dma_start3A_92 = arith.constant 0 : i32
        %dma_start3A_93 = tpu.memref_slice %arg9[%dma_start3A_91, %dma_start3A_92] : memref<10240x128xf32, #tpu.memory_space<vmem_shared>> -> memref<10240x128xf32, #tpu.memory_space<vmem_shared>>
        tpu.enqueue_indirect_dma source(%arg8 : memref<128x128xf32, #tpu.memory_space<vmem>>) target(%dma_start3A_93 : memref<10240x128xf32, #tpu.memory_space<vmem_shared>>) offsets(%dma_start3A_90 : memref<128xi32, #tpu.memory_space<vmem>>) semaphore(%run_scoped3A_87 : memref<!tpu.dma_semaphore, #tpu.memory_space<semaphore_mem>>) {add = true}
        %dma_wait3A_94 = arith.constant 0 : i32
        %dma_wait3A_95 = tpu.memref_slice %arg6[%run_scoped3A_81, %dma_wait3A_94] : memref<2x128xi32, #tpu.memory_space<vmem>> -> memref<1x128xi32, #tpu.memory_space<vmem>>
        %dma_wait3A_96 = tpu.memref_squeeze %dma_wait3A_95 : memref<1x128xi32, #tpu.memory_space<vmem>> -> memref<128xi32, #tpu.memory_space<vmem>>
        %dma_wait3A_97 = arith.constant 0 : i32
        %dma_wait3A_98 = arith.constant 0 : i32
        %dma_wait3A_99 = tpu.memref_slice %arg9[%dma_wait3A_97, %dma_wait3A_98] : memref<10240x128xf32, #tpu.memory_space<vmem_shared>> -> memref<10240x128xf32, #tpu.memory_space<vmem_shared>>
        tpu.wait_indirect_dma semaphore(%run_scoped3A_87 : memref<!tpu.dma_semaphore, #tpu.memory_space<semaphore_mem>>) src(%arg8 : memref<128x128xf32, #tpu.memory_space<vmem>>) dst(%dma_wait3A_99 : memref<10240x128xf32, #tpu.memory_space<vmem_shared>>)
        tpu.yield
      }) : () -> ()
      %lt3A_82 = arith.constant 39 : i32
      %lt3A_83 = arith.cmpi slt, %scan3A_57, %lt3A_82 : i32
      %convert_element_type3A_84 = arith.extui %lt3A_83 : i1 to i32
      %cond3A_85 = arith.constant 0 : i32
      %cond3A_86 = arith.cmpi ne, %convert_element_type3A_84, %cond3A_85 : i32
      scf.if %cond3A_86 {
        %add3A_87 = arith.addi %mul3A_3, %add3A_73 : i32
        %add3A_88 = arith.constant 2 : i32
        %add3A_89 = arith.addi %add3A_87, %add3A_88 : i32
        "tpu.region"() ({
          %run_scoped3A_97 = tpu.sem_alloc : memref<!tpu.dma_semaphore, #tpu.memory_space<semaphore_mem>>
          %dma_start3A_98 = arith.constant 0 : i32
          %dma_start3A_99 = arith.constant 0 : i32
          %dma_start3A_100 = tpu.memref_slice %arg3[%add3A_89, %dma_start3A_98, %dma_start3A_99] : memref<2560x2x128xi32, #tpu.memory_space<hbm>> -> memref<1x2x128xi32, #tpu.memory_space<hbm>>
          %dma_start3A_101 = tpu.memref_squeeze %dma_start3A_100 : memref<1x2x128xi32, #tpu.memory_space<hbm>> -> memref<2x128xi32, #tpu.memory_space<hbm>>
          %dma_start3A_102 = arith.constant 0 : i32
          %dma_start3A_103 = arith.constant 0 : i32
          %dma_start3A_104 = tpu.memref_slice %arg3[%add3A_89, %dma_start3A_102, %dma_start3A_103] : memref<2560x2x128xi32, #tpu.memory_space<hbm>> -> memref<1x2x128xi32, #tpu.memory_space<hbm>>
          %dma_start3A_105 = tpu.memref_squeeze %dma_start3A_104 : memref<1x2x128xi32, #tpu.memory_space<hbm>> -> memref<2x128xi32, #tpu.memory_space<hbm>>
          tpu.enqueue_dma source(%dma_start3A_105 : memref<2x128xi32, #tpu.memory_space<hbm>>) target(%arg6 : memref<2x128xi32, #tpu.memory_space<vmem>>) target_semaphore(%run_scoped3A_97 : memref<!tpu.dma_semaphore, #tpu.memory_space<semaphore_mem>>)
          %dma_wait3A_106 = arith.constant 0 : i32
          %dma_wait3A_107 = arith.constant 0 : i32
          %dma_wait3A_108 = tpu.memref_slice %arg3[%add3A_89, %dma_wait3A_106, %dma_wait3A_107] : memref<2560x2x128xi32, #tpu.memory_space<hbm>> -> memref<1x2x128xi32, #tpu.memory_space<hbm>>
          %dma_wait3A_109 = tpu.memref_squeeze %dma_wait3A_108 : memref<1x2x128xi32, #tpu.memory_space<hbm>> -> memref<2x128xi32, #tpu.memory_space<hbm>>
          %dma_wait3A_110 = arith.constant 0 : i32
          %dma_wait3A_111 = arith.constant 0 : i32
          %dma_wait3A_112 = tpu.memref_slice %arg3[%add3A_89, %dma_wait3A_110, %dma_wait3A_111] : memref<2560x2x128xi32, #tpu.memory_space<hbm>> -> memref<1x2x128xi32, #tpu.memory_space<hbm>>
          %dma_wait3A_113 = tpu.memref_squeeze %dma_wait3A_112 : memref<1x2x128xi32, #tpu.memory_space<hbm>> -> memref<2x128xi32, #tpu.memory_space<hbm>>
          tpu.wait_dma2 semaphore(%run_scoped3A_97 : memref<!tpu.dma_semaphore, #tpu.memory_space<semaphore_mem>>) src(%dma_wait3A_113 : memref<2x128xi32, #tpu.memory_space<hbm>>) dst(%arg6 : memref<2x128xi32, #tpu.memory_space<vmem>>)
          tpu.yield
        }) : () -> ()
        %dma_start3A_90 = arith.constant 0 : i32
        %dma_start3A_91 = arith.constant 0 : i32
        %dma_start3A_92 = tpu.memref_slice %arg6[%dma_start3A_90, %dma_start3A_91] : memref<2x128xi32, #tpu.memory_space<vmem>> -> memref<1x128xi32, #tpu.memory_space<vmem>>
        %dma_start3A_93 = tpu.memref_squeeze %dma_start3A_92 : memref<1x128xi32, #tpu.memory_space<vmem>> -> memref<128xi32, #tpu.memory_space<vmem>>
        %dma_start3A_94 = arith.constant 0 : i32
        %dma_start3A_95 = arith.constant 0 : i32
        %dma_start3A_96 = tpu.memref_slice %arg2[%dma_start3A_94, %dma_start3A_95] : memref<10240x128xf32, #tpu.memory_space<hbm>> -> memref<10240x128xf32, #tpu.memory_space<hbm>>
        tpu.enqueue_indirect_dma source(%dma_start3A_96 : memref<10240x128xf32, #tpu.memory_space<hbm>>) target(%arg8 : memref<128x128xf32, #tpu.memory_space<vmem>>) offsets(%dma_start3A_93 : memref<128xi32, #tpu.memory_space<vmem>>) semaphore(%arg11 : memref<!tpu.dma_semaphore, #tpu.memory_space<semaphore_mem>>)
      } else {
      }
    }
    %scan3A_51 = arith.constant 40 : i32
    %barrier3A_52 = arith.constant 0 : index
    tpu.barrier barrier_id(%barrier3A_52)
    %mul3A_53 = arith.constant 640 : i32
    %mul3A_54 = arith.muli %arg1, %mul3A_53 : i32
    %mul3A_55 = arith.constant 640 : i32
    %mul3A_56 = arith.muli %arg1, %mul3A_55 : i32
    "tpu.region"() ({
      %run_scoped3A = tpu.sem_alloc : memref<!tpu.dma_semaphore, #tpu.memory_space<semaphore_mem>>
      %dma_start3A_57 = arith.constant 0 : i32
      %dma_start3A_58 = tpu.memref_slice %arg4[%arg0, %mul3A_56, %dma_start3A_57] : memref<2x10240x128xf32, #tpu.memory_space<hbm>> -> memref<1x640x128xf32, #tpu.memory_space<hbm>>
      %dma_start3A_59 = tpu.memref_squeeze %dma_start3A_58 : memref<1x640x128xf32, #tpu.memory_space<hbm>> -> memref<640x128xf32, #tpu.memory_space<hbm>>
      %dma_start3A_60 = arith.constant 0 : i32
      %dma_start3A_61 = tpu.memref_slice %arg9[%mul3A_54, %dma_start3A_60] : memref<10240x128xf32, #tpu.memory_space<vmem_shared>> -> memref<640x128xf32, #tpu.memory_space<vmem_shared>>
      tpu.enqueue_dma source(%dma_start3A_61 : memref<640x128xf32, #tpu.memory_space<vmem_shared>>) target(%dma_start3A_59 : memref<640x128xf32, #tpu.memory_space<hbm>>) target_semaphore(%run_scoped3A : memref<!tpu.dma_semaphore, #tpu.memory_space<semaphore_mem>>)
      %dma_wait3A = arith.constant 0 : i32
      %dma_wait3A_62 = tpu.memref_slice %arg4[%arg0, %mul3A_56, %dma_wait3A] : memref<2x10240x128xf32, #tpu.memory_space<hbm>> -> memref<1x640x128xf32, #tpu.memory_space<hbm>>
      %dma_wait3A_63 = tpu.memref_squeeze %dma_wait3A_62 : memref<1x640x128xf32, #tpu.memory_space<hbm>> -> memref<640x128xf32, #tpu.memory_space<hbm>>
      %dma_wait3A_64 = arith.constant 0 : i32
      %dma_wait3A_65 = tpu.memref_slice %arg9[%mul3A_54, %dma_wait3A_64] : memref<10240x128xf32, #tpu.memory_space<vmem_shared>> -> memref<640x128xf32, #tpu.memory_space<vmem_shared>>
      tpu.wait_dma2 semaphore(%run_scoped3A : memref<!tpu.dma_semaphore, #tpu.memory_space<semaphore_mem>>) src(%dma_wait3A_65 : memref<640x128xf32, #tpu.memory_space<vmem_shared>>) dst(%dma_wait3A_63 : memref<640x128xf32, #tpu.memory_space<hbm>>)
      tpu.yield
    }) : () -> ()
    return
  }
}

module attributes {stable_mosaic.version = 14 : i64} {
  func.func @_scale_body(%arg0: i32, %arg1: memref<2048x128xf32, #tpu.memory_space<vmem>>, %arg2: memref<2048x128xf32, #tpu.memory_space<vmem>>, %arg3: memref<2048x128xf32, #tpu.memory_space<vmem>>) attributes {dimension_semantics = [#tpu.dimension_semantics<arbitrary>], iteration_bounds = array<i64: 5>, scalar_prefetch = 0 : i64, scratch_operands = 0 : i64, tpu.core_type = #tpu.core_type<tc>, window_params = [{transform_indices = @transform_0, window_bounds = array<i64: 2048, 128>}, {transform_indices = @transform_1, window_bounds = array<i64: 2048, 128>}, {transform_indices = @transform_2, window_bounds = array<i64: 2048, 128>}]} {
    %get3A = arith.constant 0 : index
    %get3A_0 = arith.constant 0 : index
    %get3A_1 = vector.load %arg1[%get3A, %get3A_0] : memref<2048x128xf32, #tpu.memory_space<vmem>>, vector<2048x128xf32>
    %get3A_2 = arith.constant 0 : index
    %get3A_3 = arith.constant 0 : index
    %get3A_4 = vector.load %arg2[%get3A_2, %get3A_3] : memref<2048x128xf32, #tpu.memory_space<vmem>>, vector<2048x128xf32>
    %mul3A = arith.mulf %get3A_1, %get3A_4 : vector<2048x128xf32>
    %swap3A = arith.constant 0 : index
    %swap3A_5 = arith.constant 0 : index
    %swap3A_6 = vector.load %arg3[%swap3A, %swap3A_5] : memref<2048x128xf32, #tpu.memory_space<vmem>>, vector<2048x128xf32>
    tpu.vector_store %arg3[%swap3A, %swap3A_5], %mul3A {strides = array<i32>} : memref<2048x128xf32, #tpu.memory_space<vmem>>, vector<2048x128xf32>,
    return
  }
  func.func @transform_0(%arg0: i32) -> (i32, i32) {
    %c0_i32 = arith.constant 0 : i32
    %c0_i32_0 = arith.constant 0 : i32
    return %arg0, %c0_i32 : i32, i32
  }
  func.func @transform_1(%arg0: i32) -> (i32, i32) {
    %c0_i32 = arith.constant 0 : i32
    %c0_i32_0 = arith.constant 0 : i32
    return %arg0, %c0_i32 : i32, i32
  }
  func.func @transform_2(%arg0: i32) -> (i32, i32) {
    %c0_i32 = arith.constant 0 : i32
    %c0_i32_0 = arith.constant 0 : i32
    return %arg0, %c0_i32 : i32, i32
  }
}

module attributes {stable_mosaic.version = 14 : i64} {
  func.func @_layer_body(%arg0: i32, %arg1: memref<2x2048x128xf32, #tpu.memory_space<vmem>>, %arg2: memref<2048x128xf32, #tpu.memory_space<vmem>>, %arg3: memref<2048x128xf32, #tpu.memory_space<vmem>>, %arg4: memref<128x256xf32, #tpu.memory_space<vmem>>, %arg5: memref<8x256xf32, #tpu.memory_space<vmem>>, %arg6: memref<256x128xf32, #tpu.memory_space<vmem>>, %arg7: memref<2048x128xf32, #tpu.memory_space<vmem>>) attributes {dimension_semantics = [#tpu.dimension_semantics<arbitrary>], iteration_bounds = array<i64: 5>, scalar_prefetch = 0 : i64, scratch_operands = 0 : i64, tpu.core_type = #tpu.core_type<tc>, window_params = [{transform_indices = @transform_0, window_bounds = array<i64: 2, 2048, 128>}, {transform_indices = @transform_1, window_bounds = array<i64: 2048, 128>}, {transform_indices = @transform_2, window_bounds = array<i64: 2048, 128>}, {pipeline_mode = #tpu.pipeline_mode<synchronous>, transform_indices = @transform_3, window_bounds = array<i64: 128, 256>}, {pipeline_mode = #tpu.pipeline_mode<synchronous>, transform_indices = @transform_4, window_bounds = array<i64: 8, 256>}, {pipeline_mode = #tpu.pipeline_mode<synchronous>, transform_indices = @transform_5, window_bounds = array<i64: 256, 128>}, {transform_indices = @transform_6, window_bounds = array<i64: 2048, 128>}]} {
    %get3A = arith.constant 0 : index
    %get3A_0 = arith.constant 0 : index
    %get3A_1 = arith.constant 0 : index
    %get3A_2 = vector.load %arg1[%get3A, %get3A_0, %get3A_1] : memref<2x2048x128xf32, #tpu.memory_space<vmem>>, vector<1x2048x128xf32>
    %get3A_3 = vector.shape_cast %get3A_2 : vector<1x2048x128xf32> to vector<2048x128xf32>
    %get3A_4 = arith.constant 1 : index
    %get3A_5 = arith.constant 0 : index
    %get3A_6 = arith.constant 0 : index
    %get3A_7 = vector.load %arg1[%get3A_4, %get3A_5, %get3A_6] : memref<2x2048x128xf32, #tpu.memory_space<vmem>>, vector<1x2048x128xf32>
    %get3A_8 = vector.shape_cast %get3A_7 : vector<1x2048x128xf32> to vector<2048x128xf32>
    %add3A = arith.addf %get3A_3, %get3A_8 : vector<2048x128xf32>
    %get3A_9 = arith.constant 0 : index
    %get3A_10 = arith.constant 0 : index
    %get3A_11 = vector.load %arg2[%get3A_9, %get3A_10] : memref<2048x128xf32, #tpu.memory_space<vmem>>, vector<2048x128xf32>
    %mul3A = arith.mulf %add3A, %get3A_11 : vector<2048x128xf32>
    %get3A_12 = arith.constant 0 : index
    %get3A_13 = arith.constant 0 : index
    %get3A_14 = vector.load %arg4[%get3A_12, %get3A_13] : memref<128x256xf32, #tpu.memory_space<vmem>>, vector<128x256xf32>
    %dot_general3A = arith.constant dense<0.000000e+00> : vector<2048x256xf32>
    %dot_general3A_15 = tpu.matmul %mul3A, %get3A_14, %dot_general3A {dimension_numbers = #tpu.dot_dimension_numbers<[1], [0], [0], [1], [0, 0, 1, 1], [], []>, transpose_lhs_hint = false} : vector<2048x128xf32>, vector<128x256xf32>, vector<2048x256xf32> -> vector<2048x256xf32>
    %get3A_16 = arith.constant 0 : index
    %get3A_17 = arith.constant 0 : index
    %get3A_18 = vector.load %arg5[%get3A_16, %get3A_17] : memref<8x256xf32, #tpu.memory_space<vmem>>, vector<1x256xf32>
    %add3A_19 = vector.broadcast %get3A_18 : vector<1x256xf32> to vector<2048x256xf32>
    %add3A_20 = arith.addf %dot_general3A_15, %add3A_19 : vector<2048x256xf32>
    %max3A = arith.constant 0.000000e+00 : f32
    %max3A_21 = vector.broadcast %max3A : f32 to vector<2048x256xf32>
    %max3A_22 = arith.maximumf %add3A_20, %max3A_21 : vector<2048x256xf32>
    %get3A_23 = arith.constant 0 : index
    %get3A_24 = arith.constant 0 : index
    %get3A_25 = vector.load %arg6[%get3A_23, %get3A_24] : memref<256x128xf32, #tpu.memory_space<vmem>>, vector<256x128xf32>
    %dot_general3A_26 = arith.constant dense<0.000000e+00> : vector<2048x128xf32>
    %dot_general3A_27 = tpu.matmul %max3A_22, %get3A_25, %dot_general3A_26 {dimension_numbers = #tpu.dot_dimension_numbers<[1], [0], [0], [1], [0, 0, 1, 1], [], []>, transpose_lhs_hint = false} : vector<2048x256xf32>, vector<256x128xf32>, vector<2048x128xf32> -> vector<2048x128xf32>
    %get3A_28 = arith.constant 0 : index
    %get3A_29 = arith.constant 0 : index
    %get3A_30 = vector.load %arg3[%get3A_28, %get3A_29] : memref<2048x128xf32, #tpu.memory_space<vmem>>, vector<2048x128xf32>
    %mul3A_31 = arith.mulf %dot_general3A_27, %get3A_30 : vector<2048x128xf32>
    %swap3A = arith.constant 0 : index
    %swap3A_32 = arith.constant 0 : index
    %swap3A_33 = vector.load %arg7[%swap3A, %swap3A_32] : memref<2048x128xf32, #tpu.memory_space<vmem>>, vector<2048x128xf32>
    tpu.vector_store %arg7[%swap3A, %swap3A_32], %mul3A_31 {strides = array<i32>} : memref<2048x128xf32, #tpu.memory_space<vmem>>, vector<2048x128xf32>,
    return
  }
  func.func @transform_0(%arg0: i32) -> (i32, i32, i32) {
    %c0_i32 = arith.constant 0 : i32
    %c0_i32_0 = arith.constant 0 : i32
    %c0_i32_1 = arith.constant 0 : i32
    return %c0_i32, %arg0, %c0_i32_0 : i32, i32, i32
  }
  func.func @transform_1(%arg0: i32) -> (i32, i32) {
    %c0_i32 = arith.constant 0 : i32
    %c0_i32_0 = arith.constant 0 : i32
    return %arg0, %c0_i32 : i32, i32
  }
  func.func @transform_2(%arg0: i32) -> (i32, i32) {
    %c0_i32 = arith.constant 0 : i32
    %c0_i32_0 = arith.constant 0 : i32
    return %arg0, %c0_i32 : i32, i32
  }
  func.func @transform_3(%arg0: i32) -> (i32, i32) {
    %c0_i32 = arith.constant 0 : i32
    %c0_i32_0 = arith.constant 0 : i32
    %c0_i32_1 = arith.constant 0 : i32
    return %c0_i32, %c0_i32_0 : i32, i32
  }
  func.func @transform_4(%arg0: i32) -> (i32, i32) {
    %c0_i32 = arith.constant 0 : i32
    %c0_i32_0 = arith.constant 0 : i32
    %c0_i32_1 = arith.constant 0 : i32
    return %c0_i32, %c0_i32_0 : i32, i32
  }
  func.func @transform_5(%arg0: i32) -> (i32, i32) {
    %c0_i32 = arith.constant 0 : i32
    %c0_i32_0 = arith.constant 0 : i32
    %c0_i32_1 = arith.constant 0 : i32
    return %c0_i32, %c0_i32_0 : i32, i32
  }
  func.func @transform_6(%arg0: i32) -> (i32, i32) {
    %c0_i32 = arith.constant 0 : i32
    %c0_i32_0 = arith.constant 0 : i32
    return %arg0, %c0_i32 : i32, i32
  }
}

module attributes {stable_mosaic.version = 14 : i64} {
  func.func @_final_body(%arg0: i32, %arg1: memref<2x2048x128xf32, #tpu.memory_space<vmem>>, %arg2: memref<2048x128xf32, #tpu.memory_space<vmem>>, %arg3: memref<8x128xf32, #tpu.memory_space<vmem>>, %arg4: memref<2048x128xf32, #tpu.memory_space<vmem>>) attributes {dimension_semantics = [#tpu.dimension_semantics<arbitrary>], iteration_bounds = array<i64: 5>, scalar_prefetch = 0 : i64, scratch_operands = 0 : i64, tpu.core_type = #tpu.core_type<tc>, window_params = [{transform_indices = @transform_0, window_bounds = array<i64: 2, 2048, 128>}, {transform_indices = @transform_1, window_bounds = array<i64: 2048, 128>}, {pipeline_mode = #tpu.pipeline_mode<synchronous>, transform_indices = @transform_2, window_bounds = array<i64: 8, 128>}, {transform_indices = @transform_3, window_bounds = array<i64: 2048, 128>}]} {
    %get3A = arith.constant 0 : index
    %get3A_0 = arith.constant 0 : index
    %get3A_1 = arith.constant 0 : index
    %get3A_2 = vector.load %arg1[%get3A, %get3A_0, %get3A_1] : memref<2x2048x128xf32, #tpu.memory_space<vmem>>, vector<1x2048x128xf32>
    %get3A_3 = vector.shape_cast %get3A_2 : vector<1x2048x128xf32> to vector<2048x128xf32>
    %get3A_4 = arith.constant 1 : index
    %get3A_5 = arith.constant 0 : index
    %get3A_6 = arith.constant 0 : index
    %get3A_7 = vector.load %arg1[%get3A_4, %get3A_5, %get3A_6] : memref<2x2048x128xf32, #tpu.memory_space<vmem>>, vector<1x2048x128xf32>
    %get3A_8 = vector.shape_cast %get3A_7 : vector<1x2048x128xf32> to vector<2048x128xf32>
    %add3A = arith.addf %get3A_3, %get3A_8 : vector<2048x128xf32>
    %get3A_9 = arith.constant 0 : index
    %get3A_10 = arith.constant 0 : index
    %get3A_11 = vector.load %arg2[%get3A_9, %get3A_10] : memref<2048x128xf32, #tpu.memory_space<vmem>>, vector<2048x128xf32>
    %mul3A = arith.mulf %add3A, %get3A_11 : vector<2048x128xf32>
    %get3A_12 = arith.constant 0 : index
    %get3A_13 = arith.constant 0 : index
    %get3A_14 = vector.load %arg3[%get3A_12, %get3A_13] : memref<8x128xf32, #tpu.memory_space<vmem>>, vector<1x128xf32>
    %add3A_15 = vector.broadcast %get3A_14 : vector<1x128xf32> to vector<2048x128xf32>
    %add3A_16 = arith.addf %mul3A, %add3A_15 : vector<2048x128xf32>
    %swap3A = arith.constant 0 : index
    %swap3A_17 = arith.constant 0 : index
    %swap3A_18 = vector.load %arg4[%swap3A, %swap3A_17] : memref<2048x128xf32, #tpu.memory_space<vmem>>, vector<2048x128xf32>
    tpu.vector_store %arg4[%swap3A, %swap3A_17], %add3A_16 {strides = array<i32>} : memref<2048x128xf32, #tpu.memory_space<vmem>>, vector<2048x128xf32>,
    return
  }
  func.func @transform_0(%arg0: i32) -> (i32, i32, i32) {
    %c0_i32 = arith.constant 0 : i32
    %c0_i32_0 = arith.constant 0 : i32
    %c0_i32_1 = arith.constant 0 : i32
    return %c0_i32, %arg0, %c0_i32_0 : i32, i32, i32
  }
  func.func @transform_1(%arg0: i32) -> (i32, i32) {
    %c0_i32 = arith.constant 0 : i32
    %c0_i32_0 = arith.constant 0 : i32
    return %arg0, %c0_i32 : i32, i32
  }
  func.func @transform_2(%arg0: i32) -> (i32, i32) {
    %c0_i32 = arith.constant 0 : i32
    %c0_i32_0 = arith.constant 0 : i32
    %c0_i32_1 = arith.constant 0 : i32
    return %c0_i32, %c0_i32_0 : i32, i32
  }
  func.func @transform_3(%arg0: i32) -> (i32, i32) {
    %c0_i32 = arith.constant 0 : i32
    %c0_i32_0 = arith.constant 0 : i32
    return %arg0, %c0_i32 : i32, i32
  }
}

</mosaic_0001>

<sc_bundles>
// kernel: kernel.11.cloned.1.call-start
scs
__scs_entry_jumppad:
0x0: {  	(pc) =	sbr.rel $0x88, $3  }
0x1: {  	(tag) =	ssettag $0x0;
	lr =	simm.s32 $0x1  }
0x2: {  	[smem:$0x3F9B] =	sst lr;
	_ =	strace $0xD0000000  }
0x3: {  	_ = 	snop  }
0x4: {  	_ = 	snop  }
0x5: {  	_ = 	snop  }
0x6: {  	_ = 	snop  }
0x7: {  	_ = 	snop  }
__scs_overlays_trampoline_lowered:
0x8: {  	[smem:$0x3FAA] =	sst s0  }
0x9: {  	[smem:$0x3FAB] =	sst s1  }
0xa: {  	[smem:$0x3FAC] =	sst s2  }
0xb: {  	[smem:$0x3FAD] =	sst s3  }
0xc: {  	[smem:$0x3FAE] =	sst s4  }
0xd: {  	[smem:$0x3FAF] =	sst s5  }
0xe: {  	[smem:$0x3FB0] =	sst s6  }
0xf: {  	[smem:$0x3FB1] =	sst s7  }
0x10: {  	[smem:$0x3FB2] =	sst s8  }
0x11: {  	[smem:$0x3FB3] =	sst s9;
	s0 =	simm.s32 @!p0 $0x0  }
0x12: {  	s1 =	sld [smem:$0x3F99];
	s0 =	simm.s32 @p0 $0x1  }
0x13: {  	[smem:$0x3FB4] =	sst s0;
	s0 =	simm.s32 @!p1 $0x0  }
0x14: {  	s2 =	sld [smem:$0x3F98];
	s0 =	simm.s32 @p1 $0x1  }
0x15: {  	[smem:$0x3FB5] =	sst s0;
	s0 =	simm.s32 @!p2 $0x0  }
0x16: {  	s3 =	sld [smem:$0x3FDB];
	s0 =	simm.s32 @p2 $0x1  }
0x17: {  	s4 =	simm.s32 $0x1BF5;
	[smem:$0x3FB7] =	sst s0  }
0x18: {  	s0 =	sld [smem:$0x3F9A];
	_ =	swait.ge [sflag:s4], $0x0  }
0x19: {  	s7 =	sld [smem:$0x3F9B]  }
0x1a: {  	s8 =	sadd.s32 $0xFFFFE003, lr  }
0x1b: {  	s9 =	sadd.s32 $0xFFFFFEF7, lr;
	s5 =	simm.s32 $0xFFFFFFFF;
	p2 =	slt.u32 s8, $0xFFFFF086  }
0x1c: {  	p1 =	slt.u32 s9, $0xF7A;
	s5 =	simm.s32 @!p2 $0x0  }
0x1d: {  	s5 =	simm.s32 @p1 $0x1;
	p0 =	seq.s32 s7, s2  }
0x1e: {  	s7 =	smul.u32 @!p0 $0xF7A, s2;
	p2 =	seq.s32 @!p0 s5, $0x0  }
0x1f: {  	s9 =	smul.u32 $0xF7A, s1;
	s8 =	simm.s32 @!p0 $0x1BF5;
	p2 =	por !p2, p0  }
0x20: {  	[sflag:s8] =	ssyncset.s32 @!p0 $0xFFFFF086;
	s6 =	sadd.s32 @!p0 s3, s7;
	s7 =	simm.s32 @!p0 $0x108  }
0x21: {  	s3 =	sadd.s32 s3, s9;
	s6 =	sadd.s32 @!p0 $0x88, s6;
	s7 =	simm.s32 @p2 $0x1082  }
0x22: {  	[simem:s7], [sflag:s8] =	dma.local @!p0 [hbm:s6], $0xF7A  }
0x23: {  	s9 =	sor.u32 $0xD0000000, s2;
	s6 =	simm.s32 $0x108;
	_ =	swait.ge @!p0 [sflag:s8], $0x0  }
0x24: {  	s3 =	sadd.s32 $0x88, s3;
	s6 =	simm.s32 @!p1 $0x1082;
	[sflag:s4] =	ssyncset.s32 $0xFFFFF086  }
0x25: {  	[simem:s6], [sflag:s4] =	dma.local [hbm:s3], $0xF7A  }
0x26: {  	[smem:$0x3F9B] =	sst s1;
	(tag) =	ssettag s2;
	_ =	strace s9  }
0x27: {  	s1 =	sld [smem:$0x3FAB]  }
0x28: {  	s2 =	sld [smem:$0x3FAC]  }
0x29: {  	s4 =	sld [smem:$0x3FAE]  }
0x2a: {  	p0 =	seq.s32 s5, $0x0;
	s5 =	sld [smem:$0x3FAF]  }
0x2b: {  	s6 =	sld [smem:$0x3FB0]  }
0x2c: {  	s7 =	sld [smem:$0x3FB1]  }
0x2d: {  	s3 =	simm.s32 $0x108;
	s8 =	sld [smem:$0x3FB2]  }
0x2e: {  	s3 =	simm.s32 @!p0 $0x1082;
	s9 =	sld [smem:$0x3FB3]  }
0x2f: {  	lr =	sadd.s32 s0, s3;
	s0 =	sld [smem:$0x3FAA]  }
0x30: {  	s3 =	sld [smem:$0x3FAD]  }
0x31: {  	[smem:$0x3FB6] =	sst s10  }
0x32: {  	s10 =	sld [smem:$0x3FB4];
	_ =	sdelay $0x3  }
0x33: {  	p0 =	seq.s32 s10, $0x1;
	s10 =	sld [smem:$0x3FB6];
	_ =	sdelay $0x3  }
0x34: {  	[smem:$0x3FB6] =	sst s10  }
0x35: {  	s10 =	sld [smem:$0x3FB5];
	_ =	sdelay $0x3  }
0x36: {  	p1 =	seq.s32 s10, $0x1;
	s10 =	sld [smem:$0x3FB6];
	_ =	sdelay $0x3  }
0x37: {  	[smem:$0x3FB6] =	sst s10  }
0x38: {  	s10 =	sld [smem:$0x3FB7]  }
0x39: {  	_ = 	snop;
	(pc) =	sbr.ind lr, $3  }
0x3a: {  	_ = 	snop  }
0x3b: {  	_ = 	snop  }
0x3c: {  	p2 =	seq.s32 s10, $0x1;
	s10 =	sld [smem:$0x3FB6]  }
0x3d: {  	_ =	shalt  }
0x3e: {  	_ =	shalt  }
0x3f: {  	_ =	shalt  }
0x40: {  	_ =	shalt  }
0x41: {  	_ =	shalt  }
0x42: {  	_ =	shalt  }
0x43: {  	_ =	shalt  }
0x44: {  	_ =	shalt  }
0x45: {  	_ =	shalt  }
0x46: {  	_ =	shalt  }
0x47: {  	_ =	shalt  }
0x48: {  	_ =	shalt  }
0x49: {  	_ =	shalt  }
0x4a: {  	_ =	shalt  }
0x4b: {  	_ =	shalt  }
0x4c: {  	_ =	shalt  }
0x4d: {  	_ =	shalt  }
0x4e: {  	_ =	shalt  }
0x4f: {  	_ =	shalt  }
0x50: {  	_ =	shalt  }
0x51: {  	_ =	shalt  }
0x52: {  	_ =	shalt  }
0x53: {  	_ =	shalt  }
0x54: {  	_ =	shalt  }
0x55: {  	_ =	shalt  }
0x56: {  	_ =	shalt  }
0x57: {  	_ =	shalt  }
0x58: {  	_ =	shalt  }
0x59: {  	_ =	shalt  }
0x5a: {  	_ =	shalt  }
0x5b: {  	_ =	shalt  }
0x5c: {  	_ =	shalt  }
0x5d: {  	_ =	shalt  }
0x5e: {  	_ =	shalt  }
0x5f: {  	_ =	shalt  }
0x60: {  	_ =	shalt  }
0x61: {  	_ =	shalt  }
0x62: {  	_ =	shalt  }
0x63: {  	_ =	shalt  }
0x64: {  	_ =	shalt  }
0x65: {  	_ =	shalt  }
0x66: {  	_ =	shalt  }
0x67: {  	_ =	shalt  }
0x68: {  	_ =	shalt  }
0x69: {  	_ =	shalt  }
0x6a: {  	_ =	shalt  }
0x6b: {  	_ =	shalt  }
0x6c: {  	_ =	shalt  }
0x6d: {  	_ =	shalt  }
0x6e: {  	_ =	shalt  }
0x6f: {  	_ =	shalt  }
0x70: {  	_ =	shalt  }
0x71: {  	_ =	shalt  }
0x72: {  	_ =	shalt  }
0x73: {  	_ =	shalt  }
0x74: {  	_ =	shalt  }
0x75: {  	_ =	shalt  }
0x76: {  	_ =	shalt  }
0x77: {  	_ =	shalt  }
0x78: {  	_ =	shalt  }
0x79: {  	_ =	shalt  }
0x7a: {  	_ =	shalt  }
0x7b: {  	_ =	shalt  }
0x7c: {  	_ =	shalt  }
0x7d: {  	_ =	shalt  }
0x7e: {  	_ =	shalt  }
0x7f: {  	_ =	shalt  }
0x80: {  	_ =	shalt  }
0x81: {  	_ =	shalt  }
0x82: {  	_ =	shalt  }
0x83: {  	_ =	shalt  }
0x84: {  	_ =	shalt  }
0x85: {  	_ =	shalt  }
0x86: {  	_ =	shalt  }
0x87: {  	_ =	shalt  }
.Lfunc_end0:
.L_simem_size_0:
called_computation.1_lowered:
.L_overlay_start_0:
0x88: {  	s2 =	sld [smem:$0x3FD9]  }
0x89: {  	s3 =	sld [smem:$0x3FFE];
	_ =	sdelay $0x1  }
0x8a: {  	s1 =	srdreg.scid  }
0x8b: {  	s0 =	sand.u32 $0x1, s1  }
0x8c: {  	s17 =	sshll.u32 s0, $0xA;
	s2 =	sadd.s32 s3, s2  }
0x8d: {  	s2 =	sadd.s32 s2, s17  }
0x8e: {  	[smem:$0x3FC2] =	sst s2  }
0x8f: {  	_ = 	snop  }
0x90: {  	s2 =	sld [smem:$0x3FD0];
	(tm) =	ssettm $0x1  }
0x91: {  	s18 =	sld [smem:$0x3FFB];
	_ =	sdelay $0x3  }
0x92: {  	_ =	strace s18  }
0x93: {  	s3 =	sld [smem:$0x3FFC];
	_ =	sdelay $0x3  }
0x94: {  	_ =	strace s3  }
0x95: {  	s3 =	sld [smem:$0x3FFD];
	_ =	sdelay $0x3  }
0x96: {  	_ =	strace s3  }
0x97: {  	_ =	strace $0x8FFFFFFF  }
0x98: {  	s19 =	sld [smem:$0x3FDB];
	_ =	sdelay $0x1  }
0x99: {  	s4 =	simm.s32 $_scs_section_size  }
0x9a: {  	s5 =	simm.s32 $_size__tile_overlayer_lowered;
	s6 =	simm.s32 $_tile_overlayer_lowered  }
0x9b: {  	s22 =	simm.s32 $0x1BFF;
	s21 =	sshll.u32 s6, $0x1;
	s3 =	sadd.s32 s4, s19  }
0x9c: {  	s7 =	simm.s32 $0x0;
	s20 =	sshll.u32 s5, $0x1;
	s5 =	sadd.s32 s21, s3  }
0x9d: {  	[timem:s7], [sflag:s22] =	dma.local [hbm:s5], s20  }
0x9e: {  	_ =	swait.ge [sflag:s22], s20  }
0x9f: {  	s4 =	ssub.s32 $0x0, s20;
	[sflag:s22] =	ssyncset.done $0x0  }
0xa0: {  	[sflag:s22] =	ssyncadd.s32 s4;
	_ =	sdelay $0x1  }
0xa1: {  	s23 =	simm.s32 $0x1B8B  }
0xa2: {  	_ =	swait.ge [sflag:s23], $0x1  }
0xa3: {  	[sflag:s23] =	ssyncset.done $0x0  }
0xa4: {  	s25 =	simm.s32 $0x1B8E;
	s24 =	sld [smem:$0x3FFE];
	[sflag:s23] =	ssyncadd.s32 $0xFFFFFFFF  }
0xa5: {  	s26 =	simm.s32 $execute0_lowered;
	[smem:$0x3FD2] =	sst s25  }
0xa6: {  	s5 =	sshll.u32 s26, $0x1;
	_ =	strace $0x80000049;
	[dreg:$0x1] =	wrdreg $0xFFFFFFFF  }
0xa7: {  	s28 =	simm.s32 $_size_execute0_lowered;
	s3 =	sadd.s32 s3, s5;
	[dreg:$0x0] =	wrdreg $0x0  }
0xa8: {  	s5 =	sshll.u32 s28, $0x1;
	[dreg:$0x2] =	wrdreg s3  }
0xa9: {  	[dreg:$0x3] =	wrdreg s5  }
0xaa: {  	[dreg:$0x4] =	wrdreg $0xC0  }
0xab: {  	_ =	task [dreg:s7], $0x5FFFF  }
0xac: {  	[dreg:$0x1] =	wrdreg $0xFFFFFFFF  }
0xad: {  	[dreg:$0x0] =	wrdreg $0x60  }
0xae: {  	[dreg:$0x2] =	wrdreg s24  }
0xaf: {  	[dreg:$0x3] =	wrdreg s2  }
0xb0: {  	[dreg:$0x4] =	wrdreg $0x82000  }
0xb1: {  	[dreg:$0x5] =	wrdreg $0x9  }
0xb2: {  	_ =	task.clear_ibuf [dreg:s7], $0x6FFFF;
	_ =	strace $0x90000049  }
0xb3: {  	s29 =	simm.s32 $0x9;
	_ =	strace $0x8000004B  }
0xb4: {  	_ =	swait.ge [sflag:s29], $0x1  }
0xb5: {  	[sflag:s29] =	ssyncadd.s32 $0xFFFFFFFF  }
0xb6: {  	_ =	strace $0x9000004B  }
0xb7: {  	_ =	sfence  }
0xb8: {  	s30 =	sld [smem:$0x0];
	_ =	sdelay $0x2  }
0xb9: {  	s31 =	sshll.u32 s1, $0xD;
	s1 =	sshrl.u32 s1, $0x2  }
0xba: {  	s3 =	sand.u32 $0x4000, s31;
	s1 =	sadd.s32 s1, s30  }
0xbb: {  	s0 =	sor.u32 s3, s0;
	s1 =	sshll.u32 s1, $0x11  }
0xbc: {  	s0 =	sor.u32 s1, s0  }
0xbd: {  	s0 =	sadd.s32 $0x8F2B, s0  }
0xbe: {  	[sflag:s0] =	ssyncadd.remote.s32 $0x1  }
0xbf: {  	_ =	sfence.sel $0xFFFF  }
0xc0: {  	[dreg:$0x0] =	wrdreg $0xFFFFFFFF;
	(pc) =	sbr.abs _section_cstart, $3  }
0xc1: {  	[dreg:$0x1] =	wrdreg $0xFFFFFFFF  }
0xc2: {  	_ =	task.clear_ibuf [dreg:s7], $0x2FFFF;
	_ =	strace $0x9FFFFFFF  }
0xc3: {  	(tm) =	ssettm $0x7FFFFFFF  }
tec
execute0_lowered:
.L_overlay_start_1:
0x0: {  	(tag) =	ssettag $0x1  }
0x1: {  	s5 =	rddreg [dreg:$0x0]  }
0x2: {  	s12 =	rddreg [dreg:$0x1]  }
0x3: {  	s0 =	srdreg.scid;
	s2 =	rddreg [dreg:$0x2]  }
0x4: {  	s1 =	stileid.u32;
	s3 =	simm.s32 $0x0;
	s17 =	simm.s32 $0x80  }
0x5: {  	s18 =	simm.s32 $0x100;
	s19 =	simm.s32 $0x4200;
	s20 =	simm.s32 $0x1  }
0x6: {  	s21 =	simm.s32 $0x2;
	s22 =	simm.s32 $0x180;
	s6 =	smul.u32 $0x14000, s1  }
0x7: {  	s10 =	sand.u32 $0x1, s0;
	s0 =	rddreg [dreg:$0x3];
	s7 =	smul.u32 $0x50000, s1  }
0x8: {  	s23 =	simm.s32 $0x0;
	[smem:$0x7FF] =	sst s3;
	s4 =	smul.u32 $0x140000, s10  }
0x9: {  	s31 =	sshll.u32 s1, $0x1;
	s15 =	smul.u32 $0x1400, s1;
	_ =	strace $0x8000004A  }
0xa: {  	s30 =	ssub.s32 $0x2, s10;
	s16 =	smul.u32 $0xA00, s10;
	s6 =	sadd.s32 s6, s4  }
0xb: {  	s8 =	sshrl.u32 s30, $0x1;
	s7 =	sshrl.u32 s7, $0x2;
	s6 =	sshrl.u32 s6, $0x3  }
0xc: {  	s15 =	sadd.s32 s15, s12;
	s13 =	sadd.s32 s6, s5;
	s6 =	sor.u32 s10, s31  }
0xd: {  	s4 =	sadd.s32 $0x29A00, s5;
	s5 =	sadd.s32 s7, s2;
	s9 =	smul.u32 $0xA00, s6  }
0xe: {  	s14 =	ssub.s32 s30, s8;
	s6 =	sadd.s32 $0x4000, s5;
	s7 =	sadd.s32 $0x8000, s5  }
0xf: {  	s8 =	sadd.s32 $0xC000, s5;
	s10 =	sadd.s32 $0x10000, s5;
	s9 =	sadd.s32 s12, s9  }
0x10: {  	s12 =	sadd.s32 $0x51A00, s13;
	s13 =	smax.u32 s14, $0x1;
	s14 =	sadd.s32 s16, s15  }
0x11: {  	v0 =	vimm.f32 $0.0e+00;
	s15 =	simm.s32 $0x200;
	s16 =	simm.s32 $0x3;
	s11 =	sadd.s32 $0x20, s9  }
.LBB2_1:
0x12: {  	s24 =	simm.s32 $0x0  }
0x13: {  	s25 =	sand.u32 $0xFFFFFF80, s24  }
0x14: {  	s25 =	ssub.s32 $0x0, s25  }
0x15: {  	s24 =	sand.u32 $0x3FFFFF80, s24;
	s25 =	sand.u32 $0xFFFFFF80, s25  }
0x16: {  	s26 =	sand.u32 $0x70, s3;
	s25 =	sadd.s32 s25, s24  }
0x17: {  	s24 =	simm.s32 $0x1;
	s26 =	sor.u32 s26, s25;
	s25 =	simm.s32 $0x0  }
.LBB2_2:
0x18: {  	s28 =	sshll.u32 s24, $0x4;
	p0 =	sne.s32 s24, $0x3FF;
	s24 =	sadd.s32 $0x1, s24;
	[tilespmem:s26+$0x200] =	vst v0  }
.Ltmp0:
0x19: {  	s25 =	sadd.s32 $0x10, s25;
	s26 =	sand.u32 $0xFFFFFF80, s28;
	(pc) =	sbr.rel @p0 .LBB2_2-.Ltmp0, $4  }
0x1a: {  	s26 =	ssub.s32 s25, s26  }
0x1b: {  	s28 =	sand.u32 $0x3FFFFF80, s28;
	s26 =	sand.u32 $0xFFFFFF80, s26  }
0x1c: {  	s29 =	sand.u32 $0x70, s25;
	s26 =	sadd.s32 s26, s28  }
0x1d: {  	s26 =	sor.u32 s29, s26  }
0x1e: {  	[tilespmem:s26+$0x200] =	vst v0  }
0x1f: {  	[spmem:s5] =	stream.linear.scatter [tilespmem:s15], [sflag:$0x3], $0x4000, $0x38;
	[tilespmem:$0x1C200] =	vst v63  }
0x20: {  	_ =	swait.ge [sflag:s16], $0x4000  }
0x21: {  	[sflag:s16] =	ssyncset.done $0x0  }
0x22: {  	[sflag:s16] =	ssyncadd.s32 $0xFFFFC000  }
0x23: {  	[spmem:s6] =	stream.linear.scatter [tilespmem:s15], [sflag:$0x3], $0x4000, $0x38;
	[tilespmem:$0x1C200] =	vst v63  }
0x24: {  	_ =	swait.ge [sflag:s16], $0x4000  }
0x25: {  	[sflag:s16] =	ssyncset.done $0x0  }
0x26: {  	[sflag:s16] =	ssyncadd.s32 $0xFFFFC000  }
0x27: {  	[spmem:s7] =	stream.linear.scatter [tilespmem:s15], [sflag:$0x3], $0x4000, $0x38;
	[tilespmem:$0x1C200] =	vst v63  }
0x28: {  	_ =	swait.ge [sflag:s16], $0x4000  }
0x29: {  	[sflag:s16] =	ssyncset.done $0x0  }
0x2a: {  	[sflag:s16] =	ssyncadd.s32 $0xFFFFC000  }
0x2b: {  	[spmem:s8] =	stream.linear.scatter [tilespmem:s15], [sflag:$0x3], $0x4000, $0x38;
	[tilespmem:$0x1C200] =	vst v63  }
0x2c: {  	_ =	swait.ge [sflag:s16], $0x4000  }
0x2d: {  	[sflag:s16] =	ssyncset.done $0x0  }
0x2e: {  	[sflag:s16] =	ssyncadd.s32 $0xFFFFC000  }
0x2f: {  	[spmem:s10] =	stream.linear.scatter [tilespmem:s15], [sflag:$0x3], $0x4000, $0x38;
	[tilespmem:$0x1C200] =	vst v63  }
0x30: {  	_ =	swait.ge [sflag:s16], $0x4000  }
0x31: {  	[sflag:s16] =	ssyncset.done $0x0  }
0x32: {  	[sflag:s16] =	ssyncadd.s32 $0xFFFFC000  }
0x33: {  	[tilespmem:s3], [sflag:$0x3] =	stream.linear.gather [hbm4b:s9+s3], $0x100, $0x38;
	[tilespmem:$0x1C200] =	vst v63  }
0x34: {  	_ =	swait.ge [sflag:s16], $0x100  }
0x35: {  	[sflag:s16] =	ssyncset.done $0x0  }
0x36: {  	[sflag:s16] =	ssyncadd.s32 $0xFFFFFF00  }
0x37: {  	[tilespmem:s15], [sflag:$0x1] =	stream.indirect.gather [hbm4b:s4+s17], $0x80, s3, s17, $0xb8;
	[tilespmem:$0x1C200] =	vst v63  }
0x38: {  	_ = 	snop  }
0x39: {  	[tilespmem:s18], [sflag:$0x3] =	stream.linear.gather [hbm4b:s11+s3], $0x100, $0x38;
	[tilespmem:$0x1C200] =	vst v63  }
0x3a: {  	_ =	swait.ge [sflag:s16], $0x100  }
0x3b: {  	[sflag:s16] =	ssyncset.done $0x0  }
0x3c: {  	[sflag:s16] =	ssyncadd.s32 $0xFFFFFF00  }
0x3d: {  	[tilespmem:s19], [sflag:$0x2] =	stream.indirect.gather [hbm4b:s4+s17], $0x80, s18, s17, $0xb8;
	[tilespmem:$0x1C200] =	vst v63  }
0x3e: {  	[bflag:$0x0] =	sbarrier.arrive $0xFFFF  }
0x3f: {  	_ =	swait.ge [sflag:s20], $0x4000  }
0x40: {  	[sflag:s20] =	ssyncset.done $0x0  }
0x41: {  	[sflag:s20] =	ssyncadd.s32 $0xFFFFC000  }
0x42: {  	[spmem:s2] =	stream.indirect.scatter.add.f32 [tilespmem:s15], [sflag:$0x3], $0x80, s17, s17, $0xb8;
	[tilespmem:$0x1C200] =	vst v63  }
0x43: {  	_ =	swait.ge [sflag:s16], $0x4000  }
0x44: {  	s24 =	sadd.s32 $0xFFFFF640, s14;
	[sflag:s16] =	ssyncset.done $0x0  }
0x45: {  	s25 =	sadd.s32 $0xA00, s24;
	[sflag:s16] =	ssyncadd.s32 $0xFFFFC000  }
0x46: {  	[tilespmem:s3], [sflag:$0x3] =	stream.linear.gather [hbm4b:s25+s3], $0x100, $0x38;
	[tilespmem:$0x1C200] =	vst v63  }
0x47: {  	_ =	swait.ge [sflag:s16], $0x100  }
0x48: {  	[sflag:s16] =	ssyncset.done $0x0  }
0x49: {  	[sflag:s16] =	ssyncadd.s32 $0xFFFFFF00  }
0x4a: {  	[tilespmem:s15], [sflag:$0x1] =	stream.indirect.gather [hbm4b:s4+s17], $0x80, s3, s17, $0xb8;
	[tilespmem:$0x1C200] =	vst v63  }
0x4b: {  	_ =	swait.ge [sflag:s21], $0x4000  }
0x4c: {  	[sflag:s21] =	ssyncset.done $0x0  }
0x4d: {  	[sflag:s21] =	ssyncadd.s32 $0xFFFFC000  }
0x4e: {  	[spmem:s2] =	stream.indirect.scatter.add.f32 [tilespmem:s19], [sflag:$0x3], $0x80, s22, s17, $0xb8;
	[tilespmem:$0x1C200] =	vst v63  }
0x4f: {  	_ =	swait.ge [sflag:s16], $0x4000  }
0x50: {  	[sflag:s16] =	ssyncset.done $0x0  }
0x51: {  	s24 =	sadd.s32 $0xA20, s24;
	[sflag:s16] =	ssyncadd.s32 $0xFFFFC000  }
0x52: {  	[tilespmem:s18], [sflag:$0x3] =	stream.linear.gather [hbm4b:s24+s3], $0x100, $0x38;
	[tilespmem:$0x1C200] =	vst v63  }
0x53: {  	_ =	swait.ge [sflag:s16], $0x100  }
0x54: {  	[sflag:s16] =	ssyncset.done $0x0  }
0x55: {  	s24 =	simm.s32 $0xFFFFF680;
	[sflag:s16] =	ssyncadd.s32 $0xFFFFFF00  }
.LBB2_4:
0x56: {  	[tilespmem:s19], [sflag:$0x2] =	stream.indirect.gather [hbm4b:s4+s17], $0x80, s18, s17, $0xb8;
	[tilespmem:$0x1C200] =	vst v63  }
0x57: {  	s25 =	smov.u32 s24  }
0x58: {  	p0 =	sne.s32 s24, $0xFFFFFFC0;
	s24 =	sadd.s32 $0x40, s24;
	_ =	swait.ge [sflag:s20], $0x4000  }
0x59: {  	[sflag:s20] =	ssyncset.done $0x0  }
0x5a: {  	[sflag:s20] =	ssyncadd.s32 $0xFFFFC000  }
0x5b: {  	[spmem:s2] =	stream.indirect.scatter.add.f32 [tilespmem:s15], [sflag:$0x3], $0x80, s17, s17, $0xb8;
	[tilespmem:$0x1C200] =	vst v63  }
0x5c: {  	_ =	swait.ge [sflag:s16], $0x4000  }
0x5d: {  	s25 =	sadd.s32 s25, s14;
	[sflag:s16] =	ssyncset.done $0x0  }
0x5e: {  	s26 =	sadd.s32 $0xA00, s25;
	[sflag:s16] =	ssyncadd.s32 $0xFFFFC000  }
0x5f: {  	[tilespmem:s3], [sflag:$0x3] =	stream.linear.gather [hbm4b:s26+s3], $0x100, $0x38;
	[tilespmem:$0x1C200] =	vst v63  }
0x60: {  	_ =	swait.ge [sflag:s16], $0x100  }
0x61: {  	[sflag:s16] =	ssyncset.done $0x0  }
0x62: {  	[sflag:s16] =	ssyncadd.s32 $0xFFFFFF00  }
0x63: {  	[tilespmem:s15], [sflag:$0x1] =	stream.indirect.gather [hbm4b:s4+s17], $0x80, s3, s17, $0xb8;
	[tilespmem:$0x1C200] =	vst v63  }
0x64: {  	_ =	swait.ge [sflag:s21], $0x4000  }
0x65: {  	[sflag:s21] =	ssyncset.done $0x0  }
0x66: {  	[sflag:s21] =	ssyncadd.s32 $0xFFFFC000  }
0x67: {  	[spmem:s2] =	stream.indirect.scatter.add.f32 [tilespmem:s19], [sflag:$0x3], $0x80, s22, s17, $0xb8;
	[tilespmem:$0x1C200] =	vst v63  }
0x68: {  	_ =	swait.ge [sflag:s16], $0x4000  }
0x69: {  	[sflag:s16] =	ssyncset.done $0x0  }
.Ltmp1:
0x6a: {  	s25 =	sadd.s32 $0xA20, s25;
	[sflag:s16] =	ssyncadd.s32 $0xFFFFC000;
	(pc) =	sbr.rel @p0 .LBB2_4-.Ltmp1, $4  }
0x6b: {  	[tilespmem:s18], [sflag:$0x3] =	stream.linear.gather [hbm4b:s25+s3], $0x100, $0x38;
	[tilespmem:$0x1C200] =	vst v63  }
0x6c: {  	_ =	swait.ge [sflag:s16], $0x100  }
0x6d: {  	[sflag:s16] =	ssyncset.done $0x0  }
0x6e: {  	[sflag:s16] =	ssyncadd.s32 $0xFFFFFF00  }
0x6f: {  	[tilespmem:s19], [sflag:$0x2] =	stream.indirect.gather [hbm4b:s4+s17], $0x80, s18, s17, $0xb8;
	[tilespmem:$0x1C200] =	vst v63  }
0x70: {  	_ =	swait.ge [sflag:s20], $0x4000  }
0x71: {  	[sflag:s20] =	ssyncset.done $0x0  }
0x72: {  	[sflag:s20] =	ssyncadd.s32 $0xFFFFC000  }
0x73: {  	[spmem:s2] =	stream.indirect.scatter.add.f32 [tilespmem:s15], [sflag:$0x3], $0x80, s17, s17, $0xb8;
	[tilespmem:$0x1C200] =	vst v63  }
0x74: {  	_ =	swait.ge [sflag:s16], $0x4000  }
0x75: {  	[sflag:s16] =	ssyncset.done $0x0  }
0x76: {  	[sflag:s16] =	ssyncadd.s32 $0xFFFFC000  }
0x77: {  	_ =	swait.ge [sflag:s21], $0x4000  }
0x78: {  	[sflag:s21] =	ssyncset.done $0x0  }
0x79: {  	[sflag:s21] =	ssyncadd.s32 $0xFFFFC000  }
0x7a: {  	[spmem:s2] =	stream.indirect.scatter.add.f32 [tilespmem:s19], [sflag:$0x3], $0x80, s22, s17, $0xb8;
	[tilespmem:$0x1C200] =	vst v63  }
0x7b: {  	_ =	swait.ge [sflag:s16], $0x4000  }
0x7c: {  	s24 =	sshll.u32 s1, $0x6;
	s23 =	sadd.s32 $0x1, s23;
	[sflag:s16] =	ssyncset.done $0x0  }
0x7d: {  	s25 =	sshrl.u32 s5, $0x3;
	p0 =	sne.s32 s23, s13;
	[sflag:s16] =	ssyncadd.s32 $0xFFFFC000  }
.Ltmp2:
0x7e: {  	s24 =	sor.u32 $0x1C03, s24;
	[bflag:$0x0] =	sbarrier.arrive $0xFFFF;
	(pc) =	sbr.rel @p0 .LBB2_1-.Ltmp2, $4  }
0x7f: {  	[hbm:s12], [sflag:s24] =	dma.local [spmem:s25], $0x2800  }
0x80: {  	_ =	swait.ge [sflag:s16], $0x2800  }
0x81: {  	[sflag:s16] =	ssyncset.done $0x0  }
0x82: {  	[sflag:s16] =	ssyncadd.s32 $0xFFFFD800  }
0x83: {  	_ =	sfence.sel $0x180000  }
0x84: {  	[bflag:$0x0] =	sbarrier.arrive $0xFFFF  }
0x85: {  	p0 =	sne.s32 s1, $0x0;
	_ =	strace $0x9000004A  }
0x86: {  	s0 =	sadd.s32 @!p0 $0x100000, s0;
	[bflag:$0x2] =	sbarrier.arrive $0xFFFF  }
0x87: {  	[sflag:s0] =	ssyncadd.tile.s32 @!p0 $0x1;
	_ =	shalt  }
.Lfunc_end2:
_tile_overlayer_lowered:
.L_overlay_start_2:
0x88: {  	(tag) =	ssettag $0x2  }
0x89: {  	s0 =	rddreg [dreg:$0x0];
	s2 =	stileid.u32  }
0x8a: {  	s1 =	rddreg [dreg:$0x1];
	p0 =	sne.s32 s2, $0x0  }
0x8b: {  	s3 =	rddreg [dreg:$0x2];
	[bflag:$0x3] =	sbarrier.arrive $0xFFFF;
	s2 =	simm.s32 @!p0 $0x1C03  }
0x8c: {  	[timem:s3], [sflag:s2] =	dma.local @!p0 [hbm:s0], s1  }
0x8d: {  	s0 =	simm.s32 @!p0 $0x3  }
0x8e: {  	_ =	swait.ge @!p0 [sflag:s0], s1  }
0x8f: {  	s1 =	ssub.s32 @!p0 $0x0, s1;
	[sflag:s0] =	ssyncset.done @!p0 $0x0  }
0x90: {  	[sflag:s0] =	ssyncadd.s32 @!p0 s1  }
0x91: {  	[bflag:$0x3] =	sbarrier.arrive $0xFFFF  }
0x92: {  	_ =	shalt  }

// kernel: kernel.14.cloned.1.call-start
scs
__scs_entry_jumppad:
0x0: {  	(pc) =	sbr.rel $0x88, $3  }
0x1: {  	(tag) =	ssettag $0x0;
	lr =	simm.s32 $0x1  }
0x2: {  	[smem:$0x3F9B] =	sst lr;
	_ =	strace $0xD0000000  }
0x3: {  	_ = 	snop  }
0x4: {  	_ = 	snop  }
0x5: {  	_ = 	snop  }
0x6: {  	_ = 	snop  }
0x7: {  	_ = 	snop  }
__scs_overlays_trampoline_lowered:
0x8: {  	[smem:$0x3FAA] =	sst s0  }
0x9: {  	[smem:$0x3FAB] =	sst s1  }
0xa: {  	[smem:$0x3FAC] =	sst s2  }
0xb: {  	[smem:$0x3FAD] =	sst s3  }
0xc: {  	[smem:$0x3FAE] =	sst s4  }
0xd: {  	[smem:$0x3FAF] =	sst s5  }
0xe: {  	[smem:$0x3FB0] =	sst s6  }
0xf: {  	[smem:$0x3FB1] =	sst s7  }
0x10: {  	[smem:$0x3FB2] =	sst s8  }
0x11: {  	[smem:$0x3FB3] =	sst s9;
	s0 =	simm.s32 @!p0 $0x0  }
0x12: {  	s1 =	sld [smem:$0x3F99];
	s0 =	simm.s32 @p0 $0x1  }
0x13: {  	[smem:$0x3FB4] =	sst s0;
	s0 =	simm.s32 @!p1 $0x0  }
0x14: {  	s2 =	sld [smem:$0x3F98];
	s0 =	simm.s32 @p1 $0x1  }
0x15: {  	[smem:$0x3FB5] =	sst s0;
	s0 =	simm.s32 @!p2 $0x0  }
0x16: {  	s3 =	sld [smem:$0x3FDB];
	s0 =	simm.s32 @p2 $0x1  }
0x17: {  	s4 =	simm.s32 $0x1BF5;
	[smem:$0x3FB7] =	sst s0  }
0x18: {  	s0 =	sld [smem:$0x3F9A];
	_ =	swait.ge [sflag:s4], $0x0  }
0x19: {  	s7 =	sld [smem:$0x3F9B]  }
0x1a: {  	s8 =	sadd.s32 $0xFFFFE003, lr  }
0x1b: {  	s9 =	sadd.s32 $0xFFFFFEF7, lr;
	s5 =	simm.s32 $0xFFFFFFFF;
	p2 =	slt.u32 s8, $0xFFFFF086  }
0x1c: {  	p1 =	slt.u32 s9, $0xF7A;
	s5 =	simm.s32 @!p2 $0x0  }
0x1d: {  	s5 =	simm.s32 @p1 $0x1;
	p0 =	seq.s32 s7, s2  }
0x1e: {  	s7 =	smul.u32 @!p0 $0xF7A, s2;
	p2 =	seq.s32 @!p0 s5, $0x0  }
0x1f: {  	s9 =	smul.u32 $0xF7A, s1;
	s8 =	simm.s32 @!p0 $0x1BF5;
	p2 =	por !p2, p0  }
0x20: {  	[sflag:s8] =	ssyncset.s32 @!p0 $0xFFFFF086;
	s6 =	sadd.s32 @!p0 s3, s7;
	s7 =	simm.s32 @!p0 $0x108  }
0x21: {  	s3 =	sadd.s32 s3, s9;
	s6 =	sadd.s32 @!p0 $0x88, s6;
	s7 =	simm.s32 @p2 $0x1082  }
0x22: {  	[simem:s7], [sflag:s8] =	dma.local @!p0 [hbm:s6], $0xF7A  }
0x23: {  	s9 =	sor.u32 $0xD0000000, s2;
	s6 =	simm.s32 $0x108;
	_ =	swait.ge @!p0 [sflag:s8], $0x0  }
0x24: {  	s3 =	sadd.s32 $0x88, s3;
	s6 =	simm.s32 @!p1 $0x1082;
	[sflag:s4] =	ssyncset.s32 $0xFFFFF086  }
0x25: {  	[simem:s6], [sflag:s4] =	dma.local [hbm:s3], $0xF7A  }
0x26: {  	[smem:$0x3F9B] =	sst s1;
	(tag) =	ssettag s2;
	_ =	strace s9  }
0x27: {  	s1 =	sld [smem:$0x3FAB]  }
0x28: {  	s2 =	sld [smem:$0x3FAC]  }
0x29: {  	s4 =	sld [smem:$0x3FAE]  }
0x2a: {  	p0 =	seq.s32 s5, $0x0;
	s5 =	sld [smem:$0x3FAF]  }
0x2b: {  	s6 =	sld [smem:$0x3FB0]  }
0x2c: {  	s7 =	sld [smem:$0x3FB1]  }
0x2d: {  	s3 =	simm.s32 $0x108;
	s8 =	sld [smem:$0x3FB2]  }
0x2e: {  	s3 =	simm.s32 @!p0 $0x1082;
	s9 =	sld [smem:$0x3FB3]  }
0x2f: {  	lr =	sadd.s32 s0, s3;
	s0 =	sld [smem:$0x3FAA]  }
0x30: {  	s3 =	sld [smem:$0x3FAD]  }
0x31: {  	[smem:$0x3FB6] =	sst s10  }
0x32: {  	s10 =	sld [smem:$0x3FB4];
	_ =	sdelay $0x3  }
0x33: {  	p0 =	seq.s32 s10, $0x1;
	s10 =	sld [smem:$0x3FB6];
	_ =	sdelay $0x3  }
0x34: {  	[smem:$0x3FB6] =	sst s10  }
0x35: {  	s10 =	sld [smem:$0x3FB5];
	_ =	sdelay $0x3  }
0x36: {  	p1 =	seq.s32 s10, $0x1;
	s10 =	sld [smem:$0x3FB6];
	_ =	sdelay $0x3  }
0x37: {  	[smem:$0x3FB6] =	sst s10  }
0x38: {  	s10 =	sld [smem:$0x3FB7]  }
0x39: {  	_ = 	snop;
	(pc) =	sbr.ind lr, $3  }
0x3a: {  	_ = 	snop  }
0x3b: {  	_ = 	snop  }
0x3c: {  	p2 =	seq.s32 s10, $0x1;
	s10 =	sld [smem:$0x3FB6]  }
0x3d: {  	_ =	shalt  }
0x3e: {  	_ =	shalt  }
0x3f: {  	_ =	shalt  }
0x40: {  	_ =	shalt  }
0x41: {  	_ =	shalt  }
0x42: {  	_ =	shalt  }
0x43: {  	_ =	shalt  }
0x44: {  	_ =	shalt  }
0x45: {  	_ =	shalt  }
0x46: {  	_ =	shalt  }
0x47: {  	_ =	shalt  }
0x48: {  	_ =	shalt  }
0x49: {  	_ =	shalt  }
0x4a: {  	_ =	shalt  }
0x4b: {  	_ =	shalt  }
0x4c: {  	_ =	shalt  }
0x4d: {  	_ =	shalt  }
0x4e: {  	_ =	shalt  }
0x4f: {  	_ =	shalt  }
0x50: {  	_ =	shalt  }
0x51: {  	_ =	shalt  }
0x52: {  	_ =	shalt  }
0x53: {  	_ =	shalt  }
0x54: {  	_ =	shalt  }
0x55: {  	_ =	shalt  }
0x56: {  	_ =	shalt  }
0x57: {  	_ =	shalt  }
0x58: {  	_ =	shalt  }
0x59: {  	_ =	shalt  }
0x5a: {  	_ =	shalt  }
0x5b: {  	_ =	shalt  }
0x5c: {  	_ =	shalt  }
0x5d: {  	_ =	shalt  }
0x5e: {  	_ =	shalt  }
0x5f: {  	_ =	shalt  }
0x60: {  	_ =	shalt  }
0x61: {  	_ =	shalt  }
0x62: {  	_ =	shalt  }
0x63: {  	_ =	shalt  }
0x64: {  	_ =	shalt  }
0x65: {  	_ =	shalt  }
0x66: {  	_ =	shalt  }
0x67: {  	_ =	shalt  }
0x68: {  	_ =	shalt  }
0x69: {  	_ =	shalt  }
0x6a: {  	_ =	shalt  }
0x6b: {  	_ =	shalt  }
0x6c: {  	_ =	shalt  }
0x6d: {  	_ =	shalt  }
0x6e: {  	_ =	shalt  }
0x6f: {  	_ =	shalt  }
0x70: {  	_ =	shalt  }
0x71: {  	_ =	shalt  }
0x72: {  	_ =	shalt  }
0x73: {  	_ =	shalt  }
0x74: {  	_ =	shalt  }
0x75: {  	_ =	shalt  }
0x76: {  	_ =	shalt  }
0x77: {  	_ =	shalt  }
0x78: {  	_ =	shalt  }
0x79: {  	_ =	shalt  }
0x7a: {  	_ =	shalt  }
0x7b: {  	_ =	shalt  }
0x7c: {  	_ =	shalt  }
0x7d: {  	_ =	shalt  }
0x7e: {  	_ =	shalt  }
0x7f: {  	_ =	shalt  }
0x80: {  	_ =	shalt  }
0x81: {  	_ =	shalt  }
0x82: {  	_ =	shalt  }
0x83: {  	_ =	shalt  }
0x84: {  	_ =	shalt  }
0x85: {  	_ =	shalt  }
0x86: {  	_ =	shalt  }
0x87: {  	_ =	shalt  }
.Lfunc_end0:
.L_simem_size_0:
called_computation.2_lowered:
.L_overlay_start_0:
0x88: {  	s2 =	sld [smem:$0x3FD9]  }
0x89: {  	s3 =	sld [smem:$0x3FFE];
	_ =	sdelay $0x1  }
0x8a: {  	s1 =	srdreg.scid  }
0x8b: {  	s0 =	sand.u32 $0x1, s1  }
0x8c: {  	s17 =	sshll.u32 s0, $0xA;
	s2 =	sadd.s32 s3, s2  }
0x8d: {  	s2 =	sadd.s32 s2, s17  }
0x8e: {  	[smem:$0x3FC2] =	sst s2  }
0x8f: {  	_ = 	snop  }
0x90: {  	s2 =	sld [smem:$0x3FD0];
	(tm) =	ssettm $0x1  }
0x91: {  	s18 =	sld [smem:$0x3FFB];
	_ =	sdelay $0x3  }
0x92: {  	_ =	strace s18  }
0x93: {  	s3 =	sld [smem:$0x3FFC];
	_ =	sdelay $0x3  }
0x94: {  	_ =	strace s3  }
0x95: {  	s3 =	sld [smem:$0x3FFD];
	_ =	sdelay $0x3  }
0x96: {  	_ =	strace s3  }
0x97: {  	_ =	strace $0x8FFFFFFF  }
0x98: {  	s19 =	sld [smem:$0x3FDB];
	_ =	sdelay $0x1  }
0x99: {  	s4 =	simm.s32 $_scs_section_size  }
0x9a: {  	s5 =	simm.s32 $_size__tile_overlayer_lowered;
	s6 =	simm.s32 $_tile_overlayer_lowered  }
0x9b: {  	s22 =	simm.s32 $0x1BFF;
	s21 =	sshll.u32 s6, $0x1;
	s3 =	sadd.s32 s4, s19  }
0x9c: {  	s7 =	simm.s32 $0x0;
	s20 =	sshll.u32 s5, $0x1;
	s5 =	sadd.s32 s21, s3  }
0x9d: {  	[timem:s7], [sflag:s22] =	dma.local [hbm:s5], s20  }
0x9e: {  	_ =	swait.ge [sflag:s22], s20  }
0x9f: {  	s4 =	ssub.s32 $0x0, s20;
	[sflag:s22] =	ssyncset.done $0x0  }
0xa0: {  	[sflag:s22] =	ssyncadd.s32 s4;
	_ =	sdelay $0x1  }
0xa1: {  	s23 =	simm.s32 $0x1B8B  }
0xa2: {  	_ =	swait.ge [sflag:s23], $0x1  }
0xa3: {  	[sflag:s23] =	ssyncset.done $0x0  }
0xa4: {  	s25 =	simm.s32 $0x1B8E;
	s24 =	sld [smem:$0x3FFE];
	[sflag:s23] =	ssyncadd.s32 $0xFFFFFFFF  }
0xa5: {  	s26 =	simm.s32 $execute0_lowered;
	[smem:$0x3FD2] =	sst s25  }
0xa6: {  	s5 =	sshll.u32 s26, $0x1;
	_ =	strace $0x8000004C;
	[dreg:$0x1] =	wrdreg $0xFFFFFFFF  }
0xa7: {  	s28 =	simm.s32 $_size_execute0_lowered;
	s3 =	sadd.s32 s3, s5;
	[dreg:$0x0] =	wrdreg $0x0  }
0xa8: {  	s5 =	sshll.u32 s28, $0x1;
	[dreg:$0x2] =	wrdreg s3  }
0xa9: {  	[dreg:$0x3] =	wrdreg s5  }
0xaa: {  	[dreg:$0x4] =	wrdreg $0xC0  }
0xab: {  	_ =	task [dreg:s7], $0x5FFFF  }
0xac: {  	[dreg:$0x1] =	wrdreg $0xFFFFFFFF  }
0xad: {  	[dreg:$0x0] =	wrdreg $0x60  }
0xae: {  	[dreg:$0x2] =	wrdreg s24  }
0xaf: {  	[dreg:$0x3] =	wrdreg s2  }
0xb0: {  	[dreg:$0x4] =	wrdreg $0x82000  }
0xb1: {  	[dreg:$0x5] =	wrdreg $0x9  }
0xb2: {  	_ =	task.clear_ibuf [dreg:s7], $0x6FFFF;
	_ =	strace $0x9000004C  }
0xb3: {  	s29 =	simm.s32 $0x9;
	_ =	strace $0x8000004E  }
0xb4: {  	_ =	swait.ge [sflag:s29], $0x1  }
0xb5: {  	[sflag:s29] =	ssyncadd.s32 $0xFFFFFFFF  }
0xb6: {  	_ =	strace $0x9000004E  }
0xb7: {  	_ =	sfence  }
0xb8: {  	s30 =	sld [smem:$0x0];
	_ =	sdelay $0x2  }
0xb9: {  	s31 =	sshll.u32 s1, $0xD;
	s1 =	sshrl.u32 s1, $0x2  }
0xba: {  	s3 =	sand.u32 $0x4000, s31;
	s1 =	sadd.s32 s1, s30  }
0xbb: {  	s0 =	sor.u32 s3, s0;
	s1 =	sshll.u32 s1, $0x11  }
0xbc: {  	s0 =	sor.u32 s1, s0  }
0xbd: {  	s0 =	sadd.s32 $0x8F2B, s0  }
0xbe: {  	[sflag:s0] =	ssyncadd.remote.s32 $0x1  }
0xbf: {  	_ =	sfence.sel $0xFFFF  }
0xc0: {  	[dreg:$0x0] =	wrdreg $0xFFFFFFFF;
	(pc) =	sbr.abs _section_cstart, $3  }
0xc1: {  	[dreg:$0x1] =	wrdreg $0xFFFFFFFF  }
0xc2: {  	_ =	task.clear_ibuf [dreg:s7], $0x2FFFF;
	_ =	strace $0x9FFFFFFF  }
0xc3: {  	(tm) =	ssettm $0x7FFFFFFF  }
tec
execute0_lowered:
.L_overlay_start_1:
0x0: {  	(tag) =	ssettag $0x1  }
0x1: {  	s5 =	rddreg [dreg:$0x0]  }
0x2: {  	s12 =	rddreg [dreg:$0x1]  }
0x3: {  	s0 =	srdreg.scid;
	s2 =	rddreg [dreg:$0x2]  }
0x4: {  	s1 =	stileid.u32;
	s3 =	simm.s32 $0x0;
	s17 =	simm.s32 $0x80  }
0x5: {  	s18 =	simm.s32 $0x100;
	s19 =	simm.s32 $0x4200;
	s20 =	simm.s32 $0x1  }
0x6: {  	s21 =	simm.s32 $0x2;
	s22 =	simm.s32 $0x180;
	s6 =	smul.u32 $0x14000, s1  }
0x7: {  	s10 =	sand.u32 $0x1, s0;
	s0 =	rddreg [dreg:$0x3];
	s7 =	smul.u32 $0x50000, s1  }
0x8: {  	s23 =	simm.s32 $0x0;
	[smem:$0x7FF] =	sst s3;
	s4 =	smul.u32 $0x140000, s10  }
0x9: {  	s31 =	sshll.u32 s1, $0x1;
	s15 =	smul.u32 $0x1400, s1;
	_ =	strace $0x8000004D  }
0xa: {  	s30 =	ssub.s32 $0x2, s10;
	s16 =	smul.u32 $0xA00, s10;
	s6 =	sadd.s32 s6, s4  }
0xb: {  	s8 =	sshrl.u32 s30, $0x1;
	s7 =	sshrl.u32 s7, $0x2;
	s6 =	sshrl.u32 s6, $0x3  }
0xc: {  	s15 =	sadd.s32 s15, s12;
	s13 =	sadd.s32 s6, s5;
	s6 =	sor.u32 s10, s31  }
0xd: {  	s4 =	sadd.s32 $0x1A00, s5;
	s5 =	sadd.s32 s7, s2;
	s9 =	smul.u32 $0xA00, s6  }
0xe: {  	s14 =	ssub.s32 s30, s8;
	s6 =	sadd.s32 $0x4000, s5;
	s7 =	sadd.s32 $0x8000, s5  }
0xf: {  	s8 =	sadd.s32 $0xC000, s5;
	s10 =	sadd.s32 $0x10000, s5;
	s9 =	sadd.s32 s12, s9  }
0x10: {  	s12 =	sadd.s32 $0x29A00, s13;
	s13 =	smax.u32 s14, $0x1;
	s14 =	sadd.s32 s16, s15  }
0x11: {  	v0 =	vimm.f32 $0.0e+00;
	s15 =	simm.s32 $0x200;
	s16 =	simm.s32 $0x3;
	s11 =	sadd.s32 $0x20, s9  }
.LBB2_1:
0x12: {  	s24 =	simm.s32 $0x0  }
0x13: {  	s25 =	sand.u32 $0xFFFFFF80, s24  }
0x14: {  	s25 =	ssub.s32 $0x0, s25  }
0x15: {  	s24 =	sand.u32 $0x3FFFFF80, s24;
	s25 =	sand.u32 $0xFFFFFF80, s25  }
0x16: {  	s26 =	sand.u32 $0x70, s3;
	s25 =	sadd.s32 s25, s24  }
0x17: {  	s24 =	simm.s32 $0x1;
	s26 =	sor.u32 s26, s25;
	s25 =	simm.s32 $0x0  }
.LBB2_2:
0x18: {  	s28 =	sshll.u32 s24, $0x4;
	p0 =	sne.s32 s24, $0x3FF;
	s24 =	sadd.s32 $0x1, s24;
	[tilespmem:s26+$0x200] =	vst v0  }
.Ltmp0:
0x19: {  	s25 =	sadd.s32 $0x10, s25;
	s26 =	sand.u32 $0xFFFFFF80, s28;
	(pc) =	sbr.rel @p0 .LBB2_2-.Ltmp0, $4  }
0x1a: {  	s26 =	ssub.s32 s25, s26  }
0x1b: {  	s28 =	sand.u32 $0x3FFFFF80, s28;
	s26 =	sand.u32 $0xFFFFFF80, s26  }
0x1c: {  	s29 =	sand.u32 $0x70, s25;
	s26 =	sadd.s32 s26, s28  }
0x1d: {  	s26 =	sor.u32 s29, s26  }
0x1e: {  	[tilespmem:s26+$0x200] =	vst v0  }
0x1f: {  	[spmem:s5] =	stream.linear.scatter [tilespmem:s15], [sflag:$0x3], $0x4000, $0x38;
	[tilespmem:$0x1C200] =	vst v63  }
0x20: {  	_ =	swait.ge [sflag:s16], $0x4000  }
0x21: {  	[sflag:s16] =	ssyncset.done $0x0  }
0x22: {  	[sflag:s16] =	ssyncadd.s32 $0xFFFFC000  }
0x23: {  	[spmem:s6] =	stream.linear.scatter [tilespmem:s15], [sflag:$0x3], $0x4000, $0x38;
	[tilespmem:$0x1C200] =	vst v63  }
0x24: {  	_ =	swait.ge [sflag:s16], $0x4000  }
0x25: {  	[sflag:s16] =	ssyncset.done $0x0  }
0x26: {  	[sflag:s16] =	ssyncadd.s32 $0xFFFFC000  }
0x27: {  	[spmem:s7] =	stream.linear.scatter [tilespmem:s15], [sflag:$0x3], $0x4000, $0x38;
	[tilespmem:$0x1C200] =	vst v63  }
0x28: {  	_ =	swait.ge [sflag:s16], $0x4000  }
0x29: {  	[sflag:s16] =	ssyncset.done $0x0  }
0x2a: {  	[sflag:s16] =	ssyncadd.s32 $0xFFFFC000  }
0x2b: {  	[spmem:s8] =	stream.linear.scatter [tilespmem:s15], [sflag:$0x3], $0x4000, $0x38;
	[tilespmem:$0x1C200] =	vst v63  }
0x2c: {  	_ =	swait.ge [sflag:s16], $0x4000  }
0x2d: {  	[sflag:s16] =	ssyncset.done $0x0  }
0x2e: {  	[sflag:s16] =	ssyncadd.s32 $0xFFFFC000  }
0x2f: {  	[spmem:s10] =	stream.linear.scatter [tilespmem:s15], [sflag:$0x3], $0x4000, $0x38;
	[tilespmem:$0x1C200] =	vst v63  }
0x30: {  	_ =	swait.ge [sflag:s16], $0x4000  }
0x31: {  	[sflag:s16] =	ssyncset.done $0x0  }
0x32: {  	[sflag:s16] =	ssyncadd.s32 $0xFFFFC000  }
0x33: {  	[tilespmem:s3], [sflag:$0x3] =	stream.linear.gather [hbm4b:s9+s3], $0x100, $0x38;
	[tilespmem:$0x1C200] =	vst v63  }
0x34: {  	_ =	swait.ge [sflag:s16], $0x100  }
0x35: {  	[sflag:s16] =	ssyncset.done $0x0  }
0x36: {  	[sflag:s16] =	ssyncadd.s32 $0xFFFFFF00  }
0x37: {  	[tilespmem:s15], [sflag:$0x1] =	stream.indirect.gather [hbm4b:s4+s17], $0x80, s3, s17, $0xb8;
	[tilespmem:$0x1C200] =	vst v63  }
0x38: {  	_ = 	snop  }
0x39: {  	[tilespmem:s18], [sflag:$0x3] =	stream.linear.gather [hbm4b:s11+s3], $0x100, $0x38;
	[tilespmem:$0x1C200] =	vst v63  }
0x3a: {  	_ =	swait.ge [sflag:s16], $0x100  }
0x3b: {  	[sflag:s16] =	ssyncset.done $0x0  }
0x3c: {  	[sflag:s16] =	ssyncadd.s32 $0xFFFFFF00  }
0x3d: {  	[tilespmem:s19], [sflag:$0x2] =	stream.indirect.gather [hbm4b:s4+s17], $0x80, s18, s17, $0xb8;
	[tilespmem:$0x1C200] =	vst v63  }
0x3e: {  	[bflag:$0x0] =	sbarrier.arrive $0xFFFF  }
0x3f: {  	_ =	swait.ge [sflag:s20], $0x4000  }
0x40: {  	[sflag:s20] =	ssyncset.done $0x0  }
0x41: {  	[sflag:s20] =	ssyncadd.s32 $0xFFFFC000  }
0x42: {  	[spmem:s2] =	stream.indirect.scatter.add.f32 [tilespmem:s15], [sflag:$0x3], $0x80, s17, s17, $0xb8;
	[tilespmem:$0x1C200] =	vst v63  }
0x43: {  	_ =	swait.ge [sflag:s16], $0x4000  }
0x44: {  	s24 =	sadd.s32 $0xFFFFF640, s14;
	[sflag:s16] =	ssyncset.done $0x0  }
0x45: {  	s25 =	sadd.s32 $0xA00, s24;
	[sflag:s16] =	ssyncadd.s32 $0xFFFFC000  }
0x46: {  	[tilespmem:s3], [sflag:$0x3] =	stream.linear.gather [hbm4b:s25+s3], $0x100, $0x38;
	[tilespmem:$0x1C200] =	vst v63  }
0x47: {  	_ =	swait.ge [sflag:s16], $0x100  }
0x48: {  	[sflag:s16] =	ssyncset.done $0x0  }
0x49: {  	[sflag:s16] =	ssyncadd.s32 $0xFFFFFF00  }
0x4a: {  	[tilespmem:s15], [sflag:$0x1] =	stream.indirect.gather [hbm4b:s4+s17], $0x80, s3, s17, $0xb8;
	[tilespmem:$0x1C200] =	vst v63  }
0x4b: {  	_ =	swait.ge [sflag:s21], $0x4000  }
0x4c: {  	[sflag:s21] =	ssyncset.done $0x0  }
0x4d: {  	[sflag:s21] =	ssyncadd.s32 $0xFFFFC000  }
0x4e: {  	[spmem:s2] =	stream.indirect.scatter.add.f32 [tilespmem:s19], [sflag:$0x3], $0x80, s22, s17, $0xb8;
	[tilespmem:$0x1C200] =	vst v63  }
0x4f: {  	_ =	swait.ge [sflag:s16], $0x4000  }
0x50: {  	[sflag:s16] =	ssyncset.done $0x0  }
0x51: {  	s24 =	sadd.s32 $0xA20, s24;
	[sflag:s16] =	ssyncadd.s32 $0xFFFFC000  }
0x52: {  	[tilespmem:s18], [sflag:$0x3] =	stream.linear.gather [hbm4b:s24+s3], $0x100, $0x38;
	[tilespmem:$0x1C200] =	vst v63  }
0x53: {  	_ =	swait.ge [sflag:s16], $0x100  }
0x54: {  	[sflag:s16] =	ssyncset.done $0x0  }
0x55: {  	s24 =	simm.s32 $0xFFFFF680;
	[sflag:s16] =	ssyncadd.s32 $0xFFFFFF00  }
.LBB2_4:
0x56: {  	[tilespmem:s19], [sflag:$0x2] =	stream.indirect.gather [hbm4b:s4+s17], $0x80, s18, s17, $0xb8;
	[tilespmem:$0x1C200] =	vst v63  }
0x57: {  	s25 =	smov.u32 s24  }
0x58: {  	p0 =	sne.s32 s24, $0xFFFFFFC0;
	s24 =	sadd.s32 $0x40, s24;
	_ =	swait.ge [sflag:s20], $0x4000  }
0x59: {  	[sflag:s20] =	ssyncset.done $0x0  }
0x5a: {  	[sflag:s20] =	ssyncadd.s32 $0xFFFFC000  }
0x5b: {  	[spmem:s2] =	stream.indirect.scatter.add.f32 [tilespmem:s15], [sflag:$0x3], $0x80, s17, s17, $0xb8;
	[tilespmem:$0x1C200] =	vst v63  }
0x5c: {  	_ =	swait.ge [sflag:s16], $0x4000  }
0x5d: {  	s25 =	sadd.s32 s25, s14;
	[sflag:s16] =	ssyncset.done $0x0  }
0x5e: {  	s26 =	sadd.s32 $0xA00, s25;
	[sflag:s16] =	ssyncadd.s32 $0xFFFFC000  }
0x5f: {  	[tilespmem:s3], [sflag:$0x3] =	stream.linear.gather [hbm4b:s26+s3], $0x100, $0x38;
	[tilespmem:$0x1C200] =	vst v63  }
0x60: {  	_ =	swait.ge [sflag:s16], $0x100  }
0x61: {  	[sflag:s16] =	ssyncset.done $0x0  }
0x62: {  	[sflag:s16] =	ssyncadd.s32 $0xFFFFFF00  }
0x63: {  	[tilespmem:s15], [sflag:$0x1] =	stream.indirect.gather [hbm4b:s4+s17], $0x80, s3, s17, $0xb8;
	[tilespmem:$0x1C200] =	vst v63  }
0x64: {  	_ =	swait.ge [sflag:s21], $0x4000  }
0x65: {  	[sflag:s21] =	ssyncset.done $0x0  }
0x66: {  	[sflag:s21] =	ssyncadd.s32 $0xFFFFC000  }
0x67: {  	[spmem:s2] =	stream.indirect.scatter.add.f32 [tilespmem:s19], [sflag:$0x3], $0x80, s22, s17, $0xb8;
	[tilespmem:$0x1C200] =	vst v63  }
0x68: {  	_ =	swait.ge [sflag:s16], $0x4000  }
0x69: {  	[sflag:s16] =	ssyncset.done $0x0  }
.Ltmp1:
0x6a: {  	s25 =	sadd.s32 $0xA20, s25;
	[sflag:s16] =	ssyncadd.s32 $0xFFFFC000;
	(pc) =	sbr.rel @p0 .LBB2_4-.Ltmp1, $4  }
0x6b: {  	[tilespmem:s18], [sflag:$0x3] =	stream.linear.gather [hbm4b:s25+s3], $0x100, $0x38;
	[tilespmem:$0x1C200] =	vst v63  }
0x6c: {  	_ =	swait.ge [sflag:s16], $0x100  }
0x6d: {  	[sflag:s16] =	ssyncset.done $0x0  }
0x6e: {  	[sflag:s16] =	ssyncadd.s32 $0xFFFFFF00  }
0x6f: {  	[tilespmem:s19], [sflag:$0x2] =	stream.indirect.gather [hbm4b:s4+s17], $0x80, s18, s17, $0xb8;
	[tilespmem:$0x1C200] =	vst v63  }
0x70: {  	_ =	swait.ge [sflag:s20], $0x4000  }
0x71: {  	[sflag:s20] =	ssyncset.done $0x0  }
0x72: {  	[sflag:s20] =	ssyncadd.s32 $0xFFFFC000  }
0x73: {  	[spmem:s2] =	stream.indirect.scatter.add.f32 [tilespmem:s15], [sflag:$0x3], $0x80, s17, s17, $0xb8;
	[tilespmem:$0x1C200] =	vst v63  }
0x74: {  	_ =	swait.ge [sflag:s16], $0x4000  }
0x75: {  	[sflag:s16] =	ssyncset.done $0x0  }
0x76: {  	[sflag:s16] =	ssyncadd.s32 $0xFFFFC000  }
0x77: {  	_ =	swait.ge [sflag:s21], $0x4000  }
0x78: {  	[sflag:s21] =	ssyncset.done $0x0  }
0x79: {  	[sflag:s21] =	ssyncadd.s32 $0xFFFFC000  }
0x7a: {  	[spmem:s2] =	stream.indirect.scatter.add.f32 [tilespmem:s19], [sflag:$0x3], $0x80, s22, s17, $0xb8;
	[tilespmem:$0x1C200] =	vst v63  }
0x7b: {  	_ =	swait.ge [sflag:s16], $0x4000  }
0x7c: {  	s24 =	sshll.u32 s1, $0x6;
	s23 =	sadd.s32 $0x1, s23;
	[sflag:s16] =	ssyncset.done $0x0  }
0x7d: {  	s25 =	sshrl.u32 s5, $0x3;
	p0 =	sne.s32 s23, s13;
	[sflag:s16] =	ssyncadd.s32 $0xFFFFC000  }
.Ltmp2:
0x7e: {  	s24 =	sor.u32 $0x1C03, s24;
	[bflag:$0x0] =	sbarrier.arrive $0xFFFF;
	(pc) =	sbr.rel @p0 .LBB2_1-.Ltmp2, $4  }
0x7f: {  	[hbm:s12], [sflag:s24] =	dma.local [spmem:s25], $0x2800  }
0x80: {  	_ =	swait.ge [sflag:s16], $0x2800  }
0x81: {  	[sflag:s16] =	ssyncset.done $0x0  }
0x82: {  	[sflag:s16] =	ssyncadd.s32 $0xFFFFD800  }
0x83: {  	_ =	sfence.sel $0x180000  }
0x84: {  	[bflag:$0x0] =	sbarrier.arrive $0xFFFF  }
0x85: {  	p0 =	sne.s32 s1, $0x0;
	_ =	strace $0x9000004D  }
0x86: {  	s0 =	sadd.s32 @!p0 $0x100000, s0;
	[bflag:$0x2] =	sbarrier.arrive $0xFFFF  }
0x87: {  	[sflag:s0] =	ssyncadd.tile.s32 @!p0 $0x1;
	_ =	shalt  }
.Lfunc_end2:
_tile_overlayer_lowered:
.L_overlay_start_2:
0x88: {  	(tag) =	ssettag $0x2  }
0x89: {  	s0 =	rddreg [dreg:$0x0];
	s2 =	stileid.u32  }
0x8a: {  	s1 =	rddreg [dreg:$0x1];
	p0 =	sne.s32 s2, $0x0  }
0x8b: {  	s3 =	rddreg [dreg:$0x2];
	[bflag:$0x3] =	sbarrier.arrive $0xFFFF;
	s2 =	simm.s32 @!p0 $0x1C03  }
0x8c: {  	[timem:s3], [sflag:s2] =	dma.local @!p0 [hbm:s0], s1  }
0x8d: {  	s0 =	simm.s32 @!p0 $0x3  }
0x8e: {  	_ =	swait.ge @!p0 [sflag:s0], s1  }
0x8f: {  	s1 =	ssub.s32 @!p0 $0x0, s1;
	[sflag:s0] =	ssyncset.done @!p0 $0x0  }
0x90: {  	[sflag:s0] =	ssyncadd.s32 @!p0 s1  }
0x91: {  	[bflag:$0x3] =	sbarrier.arrive $0xFFFF  }
0x92: {  	_ =	shalt  }

// kernel: kernel.8.cloned.1.call-start
scs
__scs_entry_jumppad:
0x0: {  	(pc) =	sbr.rel $0x88, $3  }
0x1: {  	(tag) =	ssettag $0x0;
	lr =	simm.s32 $0x1  }
0x2: {  	[smem:$0x3F9B] =	sst lr;
	_ =	strace $0xD0000000  }
0x3: {  	_ = 	snop  }
0x4: {  	_ = 	snop  }
0x5: {  	_ = 	snop  }
0x6: {  	_ = 	snop  }
0x7: {  	_ = 	snop  }
__scs_overlays_trampoline_lowered:
0x8: {  	[smem:$0x3FAA] =	sst s0  }
0x9: {  	[smem:$0x3FAB] =	sst s1  }
0xa: {  	[smem:$0x3FAC] =	sst s2  }
0xb: {  	[smem:$0x3FAD] =	sst s3  }
0xc: {  	[smem:$0x3FAE] =	sst s4  }
0xd: {  	[smem:$0x3FAF] =	sst s5  }
0xe: {  	[smem:$0x3FB0] =	sst s6  }
0xf: {  	[smem:$0x3FB1] =	sst s7  }
0x10: {  	[smem:$0x3FB2] =	sst s8  }
0x11: {  	[smem:$0x3FB3] =	sst s9;
	s0 =	simm.s32 @!p0 $0x0  }
0x12: {  	s1 =	sld [smem:$0x3F99];
	s0 =	simm.s32 @p0 $0x1  }
0x13: {  	[smem:$0x3FB4] =	sst s0;
	s0 =	simm.s32 @!p1 $0x0  }
0x14: {  	s2 =	sld [smem:$0x3F98];
	s0 =	simm.s32 @p1 $0x1  }
0x15: {  	[smem:$0x3FB5] =	sst s0;
	s0 =	simm.s32 @!p2 $0x0  }
0x16: {  	s3 =	sld [smem:$0x3FDB];
	s0 =	simm.s32 @p2 $0x1  }
0x17: {  	s4 =	simm.s32 $0x1BF5;
	[smem:$0x3FB7] =	sst s0  }
0x18: {  	s0 =	sld [smem:$0x3F9A];
	_ =	swait.ge [sflag:s4], $0x0  }
0x19: {  	s7 =	sld [smem:$0x3F9B]  }
0x1a: {  	s8 =	sadd.s32 $0xFFFFE003, lr  }
0x1b: {  	s9 =	sadd.s32 $0xFFFFFEF7, lr;
	s5 =	simm.s32 $0xFFFFFFFF;
	p2 =	slt.u32 s8, $0xFFFFF086  }
0x1c: {  	p1 =	slt.u32 s9, $0xF7A;
	s5 =	simm.s32 @!p2 $0x0  }
0x1d: {  	s5 =	simm.s32 @p1 $0x1;
	p0 =	seq.s32 s7, s2  }
0x1e: {  	s7 =	smul.u32 @!p0 $0xF7A, s2;
	p2 =	seq.s32 @!p0 s5, $0x0  }
0x1f: {  	s9 =	smul.u32 $0xF7A, s1;
	s8 =	simm.s32 @!p0 $0x1BF5;
	p2 =	por !p2, p0  }
0x20: {  	[sflag:s8] =	ssyncset.s32 @!p0 $0xFFFFF086;
	s6 =	sadd.s32 @!p0 s3, s7;
	s7 =	simm.s32 @!p0 $0x108  }
0x21: {  	s3 =	sadd.s32 s3, s9;
	s6 =	sadd.s32 @!p0 $0x88, s6;
	s7 =	simm.s32 @p2 $0x1082  }
0x22: {  	[simem:s7], [sflag:s8] =	dma.local @!p0 [hbm:s6], $0xF7A  }
0x23: {  	s9 =	sor.u32 $0xD0000000, s2;
	s6 =	simm.s32 $0x108;
	_ =	swait.ge @!p0 [sflag:s8], $0x0  }
0x24: {  	s3 =	sadd.s32 $0x88, s3;
	s6 =	simm.s32 @!p1 $0x1082;
	[sflag:s4] =	ssyncset.s32 $0xFFFFF086  }
0x25: {  	[simem:s6], [sflag:s4] =	dma.local [hbm:s3], $0xF7A  }
0x26: {  	[smem:$0x3F9B] =	sst s1;
	(tag) =	ssettag s2;
	_ =	strace s9  }
0x27: {  	s1 =	sld [smem:$0x3FAB]  }
0x28: {  	s2 =	sld [smem:$0x3FAC]  }
0x29: {  	s4 =	sld [smem:$0x3FAE]  }
0x2a: {  	p0 =	seq.s32 s5, $0x0;
	s5 =	sld [smem:$0x3FAF]  }
0x2b: {  	s6 =	sld [smem:$0x3FB0]  }
0x2c: {  	s7 =	sld [smem:$0x3FB1]  }
0x2d: {  	s3 =	simm.s32 $0x108;
	s8 =	sld [smem:$0x3FB2]  }
0x2e: {  	s3 =	simm.s32 @!p0 $0x1082;
	s9 =	sld [smem:$0x3FB3]  }
0x2f: {  	lr =	sadd.s32 s0, s3;
	s0 =	sld [smem:$0x3FAA]  }
0x30: {  	s3 =	sld [smem:$0x3FAD]  }
0x31: {  	[smem:$0x3FB6] =	sst s10  }
0x32: {  	s10 =	sld [smem:$0x3FB4];
	_ =	sdelay $0x3  }
0x33: {  	p0 =	seq.s32 s10, $0x1;
	s10 =	sld [smem:$0x3FB6];
	_ =	sdelay $0x3  }
0x34: {  	[smem:$0x3FB6] =	sst s10  }
0x35: {  	s10 =	sld [smem:$0x3FB5];
	_ =	sdelay $0x3  }
0x36: {  	p1 =	seq.s32 s10, $0x1;
	s10 =	sld [smem:$0x3FB6];
	_ =	sdelay $0x3  }
0x37: {  	[smem:$0x3FB6] =	sst s10  }
0x38: {  	s10 =	sld [smem:$0x3FB7]  }
0x39: {  	_ = 	snop;
	(pc) =	sbr.ind lr, $3  }
0x3a: {  	_ = 	snop  }
0x3b: {  	_ = 	snop  }
0x3c: {  	p2 =	seq.s32 s10, $0x1;
	s10 =	sld [smem:$0x3FB6]  }
0x3d: {  	_ =	shalt  }
0x3e: {  	_ =	shalt  }
0x3f: {  	_ =	shalt  }
0x40: {  	_ =	shalt  }
0x41: {  	_ =	shalt  }
0x42: {  	_ =	shalt  }
0x43: {  	_ =	shalt  }
0x44: {  	_ =	shalt  }
0x45: {  	_ =	shalt  }
0x46: {  	_ =	shalt  }
0x47: {  	_ =	shalt  }
0x48: {  	_ =	shalt  }
0x49: {  	_ =	shalt  }
0x4a: {  	_ =	shalt  }
0x4b: {  	_ =	shalt  }
0x4c: {  	_ =	shalt  }
0x4d: {  	_ =	shalt  }
0x4e: {  	_ =	shalt  }
0x4f: {  	_ =	shalt  }
0x50: {  	_ =	shalt  }
0x51: {  	_ =	shalt  }
0x52: {  	_ =	shalt  }
0x53: {  	_ =	shalt  }
0x54: {  	_ =	shalt  }
0x55: {  	_ =	shalt  }
0x56: {  	_ =	shalt  }
0x57: {  	_ =	shalt  }
0x58: {  	_ =	shalt  }
0x59: {  	_ =	shalt  }
0x5a: {  	_ =	shalt  }
0x5b: {  	_ =	shalt  }
0x5c: {  	_ =	shalt  }
0x5d: {  	_ =	shalt  }
0x5e: {  	_ =	shalt  }
0x5f: {  	_ =	shalt  }
0x60: {  	_ =	shalt  }
0x61: {  	_ =	shalt  }
0x62: {  	_ =	shalt  }
0x63: {  	_ =	shalt  }
0x64: {  	_ =	shalt  }
0x65: {  	_ =	shalt  }
0x66: {  	_ =	shalt  }
0x67: {  	_ =	shalt  }
0x68: {  	_ =	shalt  }
0x69: {  	_ =	shalt  }
0x6a: {  	_ =	shalt  }
0x6b: {  	_ =	shalt  }
0x6c: {  	_ =	shalt  }
0x6d: {  	_ =	shalt  }
0x6e: {  	_ =	shalt  }
0x6f: {  	_ =	shalt  }
0x70: {  	_ =	shalt  }
0x71: {  	_ =	shalt  }
0x72: {  	_ =	shalt  }
0x73: {  	_ =	shalt  }
0x74: {  	_ =	shalt  }
0x75: {  	_ =	shalt  }
0x76: {  	_ =	shalt  }
0x77: {  	_ =	shalt  }
0x78: {  	_ =	shalt  }
0x79: {  	_ =	shalt  }
0x7a: {  	_ =	shalt  }
0x7b: {  	_ =	shalt  }
0x7c: {  	_ =	shalt  }
0x7d: {  	_ =	shalt  }
0x7e: {  	_ =	shalt  }
0x7f: {  	_ =	shalt  }
0x80: {  	_ =	shalt  }
0x81: {  	_ =	shalt  }
0x82: {  	_ =	shalt  }
0x83: {  	_ =	shalt  }
0x84: {  	_ =	shalt  }
0x85: {  	_ =	shalt  }
0x86: {  	_ =	shalt  }
0x87: {  	_ =	shalt  }
.Lfunc_end0:
.L_simem_size_0:
called_computation_lowered:
.L_overlay_start_0:
0x88: {  	s2 =	sld [smem:$0x3FD9]  }
0x89: {  	s3 =	sld [smem:$0x3FFE];
	_ =	sdelay $0x1  }
0x8a: {  	s1 =	srdreg.scid  }
0x8b: {  	s0 =	sand.u32 $0x1, s1  }
0x8c: {  	s16 =	sshll.u32 s0, $0xA;
	s2 =	sadd.s32 s3, s2  }
0x8d: {  	s2 =	sadd.s32 s2, s16  }
0x8e: {  	[smem:$0x3FC2] =	sst s2  }
0x8f: {  	_ = 	snop  }
0x90: {  	(tm) =	ssettm $0x1  }
0x91: {  	s17 =	sld [smem:$0x3FFB];
	_ =	sdelay $0x3  }
0x92: {  	_ =	strace s17  }
0x93: {  	s2 =	sld [smem:$0x3FFC];
	_ =	sdelay $0x3  }
0x94: {  	_ =	strace s2  }
0x95: {  	s2 =	sld [smem:$0x3FFD];
	_ =	sdelay $0x3  }
0x96: {  	_ =	strace s2  }
0x97: {  	_ =	strace $0x8FFFFFFF  }
0x98: {  	s18 =	sld [smem:$0x3FDB];
	_ =	sdelay $0x1  }
0x99: {  	s19 =	simm.s32 $_scs_section_size  }
0x9a: {  	s4 =	simm.s32 $_size__tile_overlayer_lowered;
	s5 =	simm.s32 $_tile_overlayer_lowered  }
0x9b: {  	s22 =	simm.s32 $0x1BFF;
	s21 =	sshll.u32 s5, $0x1;
	s2 =	sadd.s32 s19, s18  }
0x9c: {  	s6 =	simm.s32 $0x0;
	s20 =	sshll.u32 s4, $0x1;
	s4 =	sadd.s32 s21, s2  }
0x9d: {  	[timem:s6], [sflag:s22] =	dma.local [hbm:s4], s20  }
0x9e: {  	_ =	swait.ge [sflag:s22], s20  }
0x9f: {  	s3 =	ssub.s32 $0x0, s20;
	[sflag:s22] =	ssyncset.done $0x0  }
0xa0: {  	[sflag:s22] =	ssyncadd.s32 s3;
	_ =	sdelay $0x1  }
0xa1: {  	s23 =	simm.s32 $0x1B8B  }
0xa2: {  	_ =	swait.ge [sflag:s23], $0x1  }
0xa3: {  	[sflag:s23] =	ssyncset.done $0x0  }
0xa4: {  	s25 =	simm.s32 $0x1B8E;
	s24 =	sld [smem:$0x3FFE];
	[sflag:s23] =	ssyncadd.s32 $0xFFFFFFFF  }
0xa5: {  	s26 =	simm.s32 $execute0_lowered;
	[smem:$0x3FD2] =	sst s25  }
0xa6: {  	s4 =	sshll.u32 s26, $0x1;
	_ =	strace $0x80000046;
	[dreg:$0x1] =	wrdreg $0xFFFFFFFF  }
0xa7: {  	s28 =	simm.s32 $_size_execute0_lowered;
	s2 =	sadd.s32 s2, s4;
	[dreg:$0x0] =	wrdreg $0x0  }
0xa8: {  	s4 =	sshll.u32 s28, $0x1;
	[dreg:$0x2] =	wrdreg s2  }
0xa9: {  	[dreg:$0x3] =	wrdreg s4  }
0xaa: {  	[dreg:$0x4] =	wrdreg $0xC0  }
0xab: {  	_ =	task [dreg:s6], $0x5FFFF  }
0xac: {  	[dreg:$0x1] =	wrdreg $0xFFFFFFFF  }
0xad: {  	[dreg:$0x0] =	wrdreg $0x60  }
0xae: {  	[dreg:$0x2] =	wrdreg s24  }
0xaf: {  	[dreg:$0x3] =	wrdreg $0x9  }
0xb0: {  	_ =	task.clear_ibuf [dreg:s6], $0x4FFFF;
	_ =	strace $0x90000046  }
0xb1: {  	s29 =	simm.s32 $0x9;
	_ =	strace $0x80000048  }
0xb2: {  	_ =	swait.ge [sflag:s29], $0x1  }
0xb3: {  	[sflag:s29] =	ssyncadd.s32 $0xFFFFFFFF  }
0xb4: {  	_ =	strace $0x90000048  }
0xb5: {  	_ =	sfence  }
0xb6: {  	s30 =	sld [smem:$0x0];
	_ =	sdelay $0x2  }
0xb7: {  	s31 =	sshll.u32 s1, $0xD;
	s1 =	sshrl.u32 s1, $0x2  }
0xb8: {  	s3 =	sand.u32 $0x4000, s31;
	s1 =	sadd.s32 s1, s30  }
0xb9: {  	s0 =	sor.u32 s3, s0;
	s1 =	sshll.u32 s1, $0x11  }
0xba: {  	s0 =	sor.u32 s1, s0  }
0xbb: {  	s0 =	sadd.s32 $0x8F2B, s0  }
0xbc: {  	[sflag:s0] =	ssyncadd.remote.s32 $0x1  }
0xbd: {  	_ =	sfence.sel $0xFFFF  }
0xbe: {  	[dreg:$0x0] =	wrdreg $0xFFFFFFFF;
	(pc) =	sbr.abs _section_cstart, $3  }
0xbf: {  	[dreg:$0x1] =	wrdreg $0xFFFFFFFF  }
0xc0: {  	_ =	task.clear_ibuf [dreg:s6], $0x2FFFF;
	_ =	strace $0x9FFFFFFF  }
0xc1: {  	(tm) =	ssettm $0x7FFFFFFF  }
tec
execute0_lowered:
.L_overlay_start_1:
0x0: {  	(tag) =	ssettag $0x1  }
0x1: {  	s1 =	srdreg.scid  }
0x2: {  	s0 =	stileid.u32;
	s5 =	rddreg [dreg:$0x0]  }
0x3: {  	s2 =	simm.s32 $0x0;
	s8 =	simm.s32 $0x1;
	s9 =	simm.s32 $0x2800  }
0x4: {  	s10 =	simm.s32 $0x5000;
	s11 =	simm.s32 $0x7800;
	s12 =	simm.s32 $0x80  }
0x5: {  	s13 =	simm.s32 $0x400;
	s3 =	sand.u32 $0x1, s1;
	s28 =	sshll.u32 s0, $0x1  }
0x6: {  	s29 =	sshrl.u32 s0, $0x2;
	s1 =	rddreg [dreg:$0x1];
	s4 =	sor.u32 s3, s28  }
0x7: {  	[smem:$0x7FF] =	sst s2;
	s6 =	smul.u32 $0x14000, s29;
	s7 =	sshll.u32 s4, $0x7  }
0x8: {  	s3 =	ssub.s32 $0x2, s3;
	s4 =	smul.u32 $0x500, s4;
	s7 =	sand.u32 $0x380, s7  }
0x9: {  	_ =	strace $0x80000047;
	s30 =	sshrl.u32 s3, $0x1;
	s6 =	sor.u32 s6, s7  }
0xa: {  	s31 =	ssub.s32 s3, s30;
	s4 =	sadd.s32 s4, s5;
	s6 =	sshrl.u32 s6, $0x3  }
0xb: {  	s7 =	smax.u32 s31, $0x1;
	s3 =	sadd.s32 $0xBA00, s4;
	s6 =	sadd.s32 s6, s5  }
0xc: {  	v0 =	vimm.f32 $0.0e+00;
	v1 =	vimm.f32 $1.000000000e+00;
	s4 =	sadd.s32 $0x1A00, s4;
	s5 =	sadd.s32 $0x15A00, s6;
	s6 =	sadd.s32 $0x1FA00, s6  }
.LBB2_1:
0xd: {  	s14 =	simm.s32 $0x40;
	s15 =	simm.s32 $0x0  }
.LBB2_2:
0xe: {  	p0 =	sne.s32 s14, $0x9FC0;
	[tilespmem:s15+$0x5000] =	vst v0;
	s16 =	smov.u32 s14;
	s14 =	sadd.s32 $0x40, s14  }
.Ltmp0:
0xf: {  	[tilespmem:s15+$0x7800] =	vst v0;
	(pc) =	sbr.rel @p0 .LBB2_2-.Ltmp0, $2  }
0x10: {  	_ =	sdelay $0x2  }
0x11: {  	s15 =	sshra.s32 s16, $0x2  }
0x12: {  	[tilespmem:s15+$0x5000] =	vst v0  }
0x13: {  	[tilespmem:s15+$0x7800] =	vst v0;
	s14 =	simm.s32 $0x0  }
0x14: {  	[tilespmem:s14], [sflag:$0x1] =	stream.linear.gather [hbm4b:s3+s14], $0x2800, $0x38;
	[tilespmem:$0xA000] =	vst v63  }
0x15: {  	_ =	swait.ge [sflag:s8], $0x2800  }
0x16: {  	[sflag:s8] =	ssyncset.done $0x0  }
0x17: {  	[sflag:s8] =	ssyncadd.s32 $0xFFFFD800  }
0x18: {  	[tilespmem:s9], [sflag:$0x1] =	stream.linear.gather [hbm4b:s4+s14], $0x2800, $0x38;
	[tilespmem:$0xA000] =	vst v63  }
0x19: {  	_ =	swait.ge [sflag:s8], $0x2800  }
0x1a: {  	[sflag:s8] =	ssyncset.done $0x0  }
0x1b: {  	s15 =	simm.s32 $0x0;
	s14 =	simm.s32 $0x40;
	[sflag:s8] =	ssyncadd.s32 $0xFFFFD800  }
.LBB2_4:
0x1c: {  	p0 =	sne.s32 s14, $0x9FC0;
	v2 =	vld [tilespmem:s15+$0x0];
	_ =	sdelay $0x7  }
0x1d: {  	[tilespmem:v2+s10+$0x0] =	vst.idx.add.f32.msk $0xffff, v1  }
0x1e: {  	v2 =	vld [tilespmem:s15+$0x2800];
	_ =	sdelay $0x3  }
.Ltmp1:
0x1f: {  	(pc) =	sbr.rel @p0 .LBB2_4-.Ltmp1, $2  }
0x20: {  	_ =	sdelay $0x2  }
0x21: {  	s15 =	sshra.s32 s14, $0x2;
	s14 =	sadd.s32 $0x40, s14;
	[tilespmem:v2+s11+$0x0] =	vst.idx.add.f32.msk $0xffff, v1  }
0x22: {  	v2 =	vld [tilespmem:s15+$0x0];
	_ =	sdelay $0x7  }
0x23: {  	[tilespmem:v2+s10+$0x0] =	vst.idx.add.f32.msk $0xffff, v1  }
0x24: {  	v2 =	vld [tilespmem:s15+$0x2800];
	_ =	sdelay $0x7  }
0x25: {  	[tilespmem:v2+s11+$0x0] =	vst.idx.add.f32.msk $0xffff, v1  }
0x26: {  	[hbm4b:s5+s12] =	stream.strided.scatter [tilespmem:s10], [sflag:$0x1], $0x2800, s13, s12, $0x38;
	[tilespmem:$0xA000] =	vst v63  }
0x27: {  	s2 =	sadd.s32 $0x1, s2;
	_ =	swait.ge [sflag:s8], $0x2800  }
0x28: {  	p0 =	sne.s32 s2, s7;
	[sflag:s8] =	ssyncset.done $0x0  }
.Ltmp2:
0x29: {  	[sflag:s8] =	ssyncadd.s32 $0xFFFFD800;
	(pc) =	sbr.rel @p0 .LBB2_1-.Ltmp2, $4  }
0x2a: {  	[hbm4b:s6+s12] =	stream.strided.scatter [tilespmem:s11], [sflag:$0x1], $0x2800, s13, s12, $0x38;
	[tilespmem:$0xA000] =	vst v63  }
0x2b: {  	_ =	swait.ge [sflag:s8], $0x2800  }
0x2c: {  	[sflag:s8] =	ssyncset.done $0x0  }
0x2d: {  	[sflag:s8] =	ssyncadd.s32 $0xFFFFD800  }
0x2e: {  	_ =	sfence.sel $0x180000  }
0x2f: {  	[bflag:$0x0] =	sbarrier.arrive $0xFFFF  }
0x30: {  	p0 =	sne.s32 s0, $0x0;
	_ =	strace $0x90000047  }
0x31: {  	s0 =	sadd.s32 @!p0 $0x100000, s1;
	[bflag:$0x2] =	sbarrier.arrive $0xFFFF  }
0x32: {  	[sflag:s0] =	ssyncadd.tile.s32 @!p0 $0x1;
	_ =	shalt  }
.Lfunc_end2:
_tile_overlayer_lowered:
.L_overlay_start_2:
0x33: {  	(tag) =	ssettag $0x2  }
0x34: {  	s0 =	rddreg [dreg:$0x0];
	s2 =	stileid.u32  }
0x35: {  	s1 =	rddreg [dreg:$0x1];
	p0 =	sne.s32 s2, $0x0  }
0x36: {  	s3 =	rddreg [dreg:$0x2];
	[bflag:$0x3] =	sbarrier.arrive $0xFFFF;
	s2 =	simm.s32 @!p0 $0x1C01  }
0x37: {  	[timem:s3], [sflag:s2] =	dma.local @!p0 [hbm:s0], s1  }
0x38: {  	s0 =	simm.s32 @!p0 $0x1  }
0x39: {  	_ =	swait.ge @!p0 [sflag:s0], s1  }
0x3a: {  	s1 =	ssub.s32 @!p0 $0x0, s1;
	[sflag:s0] =	ssyncset.done @!p0 $0x0  }
0x3b: {  	[sflag:s0] =	ssyncadd.s32 @!p0 s1  }
0x3c: {  	[bflag:$0x3] =	sbarrier.arrive $0xFFFF  }
0x3d: {  	_ =	shalt  }

</sc_bundles>
